<compile_context>
chip_gen: v7x
topology: tpu7x:2x2x1
jax: 0.10.2.dev20260603
libtpu: 0.0.44.dev20260713+nightly
codegen_flags: <defaults>
</compile_context>

<pallas_src>
import jax
import jax.numpy as jnp
from jax import lax
from jax.experimental import pallas as pl
from jax.experimental.pallas import tpu as pltpu, tpu_sc as plsc

B, N, M, K = 4, 8192, 2048, 32
CI, C0, C1 = 64, 64, 128
RADIUS = 1.0
EPS = 1e-5

NC, NS, L = 2, 16, 16
NW = NC * NS
CPW = (B * M) // NW
IDXBUF = 64
GRP = 4


def _prows_body(f_ref, x_ref, a_ref, bw_ref, t1_ref, out_ref):
    p = (jnp.dot(f_ref[...], a_ref[...], preferred_element_type=jnp.float32)
         + jnp.dot(x_ref[...], bw_ref[...], preferred_element_type=jnp.float32)
         + t1_ref[...])
    out_ref[...] = jnp.concatenate([p, jnp.zeros_like(p)], axis=1)


def _prows(feats2d, xyzp, a, bw8, t1):
    rows = feats2d.shape[0]
    blk = 1024
    return pl.pallas_call(
        _prows_body,
        grid=(rows // blk,),
        in_specs=[
            pl.BlockSpec((blk, CI), lambda i: (i, 0)),
            pl.BlockSpec((blk, 8), lambda i: (i, 0)),
            pl.BlockSpec((CI, C0), lambda i: (0, 0)),
            pl.BlockSpec((8, C0), lambda i: (0, 0)),
            pl.BlockSpec((1, C0), lambda i: (0, 0)),
        ],
        out_specs=pl.BlockSpec((blk, 2 * C0), lambda i: (i, 0)),
        out_shape=jax.ShapeDtypeStruct((rows, 2 * C0), jnp.float32),
    )(feats2d, xyzp, a, bw8, t1)


def _rne_bf16(x):
    u = plsc.bitcast(x, jnp.uint32)
    u = (u + jnp.uint32(0x7FFF) + ((u >> jnp.uint32(16)) & jnp.uint32(1))) \
        & jnp.uint32(0xFFFF0000)
    return plsc.bitcast(u, jnp.float32)


def _sc_body(px, py, pz, cx, cy, cz, p2d,
             omax_hbm, oflag_hbm,
             vpx, vpy, vpz, vxsq, vcx, vcy, vcz, vcsq,
             ibuf0, ibuf1, ibuf2, ibuf3, rbuf0, rbuf1, rbuf2, rbuf3,
             omax, oflag, sem0, sem1, sem2, sem3):
    wid = lax.axis_index("s") * NC + lax.axis_index("c")
    base_c = wid * CPW
    base_p = (base_c // M) * N

    pltpu.sync_copy(px.at[pl.ds(base_p, N)], vpx)
    pltpu.sync_copy(py.at[pl.ds(base_p, N)], vpy)
    pltpu.sync_copy(pz.at[pl.ds(base_p, N)], vpz)
    pltpu.sync_copy(cx.at[pl.ds(base_c, CPW)], vcx)
    pltpu.sync_copy(cy.at[pl.ds(base_c, CPW)], vcy)
    pltpu.sync_copy(cz.at[pl.ds(base_c, CPW)], vcz)

    def stage(vx, vy, vz, vsq):
        def f(t, c):
            xv = vx[pl.ds(t * L, L)]
            yv = vy[pl.ds(t * L, L)]
            zv = vz[pl.ds(t * L, L)]
            vsq[pl.ds(t * L, L)] = (xv * xv + yv * yv) + zv * zv
            vx[pl.ds(t * L, L)] = _rne_bf16(xv)
            vy[pl.ds(t * L, L)] = _rne_bf16(yv)
            vz[pl.ds(t * L, L)] = _rne_bf16(zv)
            return c
        return f

    lax.fori_loop(0, N // L, stage(vpx, vpy, vpz, vxsq), 0)
    lax.fori_loop(0, CPW // L, stage(vcx, vcy, vcz, vcsq), 0)

    iota = lax.broadcasted_iota(jnp.int32, (L,), 0)
    zeros16 = jnp.zeros((L,), jnp.float32)
    ones16 = jnp.ones((L,), jnp.float32)
    lane0 = iota == 0

    def scan_and_fill(i, ibuf):
        idxv = jnp.full((L,), i, jnp.int32)
        cxs = plsc.load_gather(vcx, [idxv])
        cys = plsc.load_gather(vcy, [idxv])
        czs = plsc.load_gather(vcz, [idxv])
        csqs = plsc.load_gather(vcsq, [idxv])

        def cond(st):
            j, cnt = st
            return (j < N) & (cnt < K)

        def scan_body(st):
            j, cnt = st
            j2 = j + L
            dot = (cxs * vpx[pl.ds(j, L)] + cys * vpy[pl.ds(j, L)]) \
                + czs * vpz[pl.ds(j, L)]
            d2 = (csqs + vxsq[pl.ds(j, L)]) - 2.0 * dot
            dotb = (cxs * vpx[pl.ds(j2, L)] + cys * vpy[pl.ds(j2, L)]) \
                + czs * vpz[pl.ds(j2, L)]
            d2b = (csqs + vxsq[pl.ds(j2, L)]) - 2.0 * dotb
            m = d2 < RADIUS * RADIUS
            mb = d2b < RADIUS * RADIUS
            gidx = base_p + j + iota
            plsc.store_compressed(ibuf.at[pl.ds(cnt, L)], gidx, mask=m)
            tot = plsc.all_reduce_population_count(m)[0]
            cnt1 = cnt + tot
            plsc.store_compressed(ibuf.at[pl.ds(cnt1, L)], gidx + L, mask=mb)
            totb = plsc.all_reduce_population_count(mb)[0]
            return j + 2 * L, cnt1 + totb

        _, cnt = lax.while_loop(cond, scan_body,
                                (jnp.int32(0), jnp.int32(0)))

        f16 = ibuf[pl.ds(0, L)]
        fsc = jnp.sum(jnp.where(lane0, f16, 0))
        first = jnp.full((L,), jnp.where(cnt > 0, fsc, 0), jnp.int32)
        for t in range(0, K, L):
            cur = ibuf[pl.ds(t, L)]
            ibuf[pl.ds(t, L)] = jnp.where(iota + t < cnt, cur, first)
        return cnt

    def max_and_store(i, rbuf, cnt):
        def mx(r4, accs):
            for dr in range(4):
                row = r4 * 4 + dr
                accs = tuple(
                    jnp.maximum(a, rbuf[row, pl.ds(c * L, L)])
                    for c, a in enumerate(accs))
            return accs

        accs = lax.fori_loop(
            0, K // 4, mx,
            tuple(jnp.full((L,), -jnp.inf, jnp.float32)
                  for _ in range(C0 // L)))
        for c in range(C0 // L):
            omax[pl.ds(i * C0 + c * L, L)] = accs[c]
        flagv = jnp.where(cnt > 0, ones16, zeros16)
        plsc.store_scatter(oflag, [jnp.full((L,), i, jnp.int32)], flagv,
                           mask=lane0)

    def group_body(g, carry):
        base_i = g * GRP
        cnts = []
        dmas = []
        for k in range(GRP):
            cnt = scan_and_fill(base_i + k, ibufs[k])
            dma = pltpu.make_async_copy(
                p2d.at[ibufs[k].at[pl.ds(0, K)]], rbufs[k], sems[k])
            dma.start()
            cnts.append(cnt)
            dmas.append(dma)
        for k in range(GRP):
            dmas[k].wait()
            max_and_store(base_i + k, rbufs[k], cnts[k])
        return carry

    ibufs = (ibuf0, ibuf1, ibuf2, ibuf3)
    rbufs = (rbuf0, rbuf1, rbuf2, rbuf3)
    sems = (sem0, sem1, sem2, sem3)
    lax.fori_loop(0, CPW // GRP, group_body, 0)
    pltpu.sync_copy(omax, omax_hbm.at[pl.ds(base_c * C0, CPW * C0)])
    pltpu.sync_copy(oflag, oflag_hbm.at[pl.ds(base_c, CPW)])


def _sc_ball_max(px, py, pz, cx, cy, cz, p2d):
    mesh = plsc.VectorSubcoreMesh(core_axis_name="c", subcore_axis_name="s")
    return pl.kernel(
        _sc_body,
        out_type=[
            jax.ShapeDtypeStruct((B * M * C0,), jnp.float32),
            jax.ShapeDtypeStruct((B * M,), jnp.float32),
        ],
        mesh=mesh,
        compiler_params=pltpu.CompilerParams(needs_layout_passes=False),
        scratch_types=[
            pltpu.VMEM((N,), jnp.float32),
            pltpu.VMEM((N,), jnp.float32),
            pltpu.VMEM((N,), jnp.float32),
            pltpu.VMEM((N,), jnp.float32),
            pltpu.VMEM((CPW,), jnp.float32),
            pltpu.VMEM((CPW,), jnp.float32),
            pltpu.VMEM((CPW,), jnp.float32),
            pltpu.VMEM((CPW,), jnp.float32),
            pltpu.VMEM((IDXBUF,), jnp.int32),
            pltpu.VMEM((IDXBUF,), jnp.int32),
            pltpu.VMEM((IDXBUF,), jnp.int32),
            pltpu.VMEM((IDXBUF,), jnp.int32),
            pltpu.VMEM((K, 2 * C0), jnp.float32),
            pltpu.VMEM((K, 2 * C0), jnp.float32),
            pltpu.VMEM((K, 2 * C0), jnp.float32),
            pltpu.VMEM((K, 2 * C0), jnp.float32),
            pltpu.VMEM((CPW * C0,), jnp.float32),
            pltpu.VMEM((CPW,), jnp.float32),
            pltpu.SemaphoreType.DMA,
            pltpu.SemaphoreType.DMA,
            pltpu.SemaphoreType.DMA,
            pltpu.SemaphoreType.DMA,
        ],
    )(px, py, pz, cx, cy, cz, p2d)


def _epilogue_body(maxp_ref, nx_ref, flag_ref, bw_ref, wr_ref, t2_ref, s3_ref,
                   t3_ref, out_ref):
    r = t2_ref[...] - jnp.dot(nx_ref[...], bw_ref[...],
                              preferred_element_type=jnp.float32)
    h = jnp.maximum(maxp_ref[...] + r, 0.0)
    o = jnp.dot(h, wr_ref[...], preferred_element_type=jnp.float32)
    o = jnp.maximum(o * s3_ref[...] + t3_ref[...], 0.0) * flag_ref[...]
    out_ref[...] = o


def _epilogue(maxp, nxp, flag, bw8, wr, t2, s3, t3):
    rows = maxp.shape[0]
    blk = 512
    return pl.pallas_call(
        _epilogue_body,
        grid=(rows // blk,),
        in_specs=[
            pl.BlockSpec((blk, C0), lambda i: (i, 0)),
            pl.BlockSpec((blk, 8), lambda i: (i, 0)),
            pl.BlockSpec((blk, 1), lambda i: (i, 0)),
            pl.BlockSpec((8, C0), lambda i: (0, 0)),
            pl.BlockSpec((C0, C1), lambda i: (0, 0)),
            pl.BlockSpec((1, C0), lambda i: (0, 0)),
            pl.BlockSpec((1, C1), lambda i: (0, 0)),
            pl.BlockSpec((1, C1), lambda i: (0, 0)),
        ],
        out_specs=pl.BlockSpec((blk, C1), lambda i: (i, 0)),
        out_shape=jax.ShapeDtypeStruct((rows, C1), jnp.float32),
    )(maxp, nxp, flag, bw8, wr, t2, s3, t3)


def kernel(xyz, new_xyz, feats, W_feat, W_xyz, W_refine,
           g1, b1, m1, v1, g2, b2, m2, v2, g3, b3, m3, v3):
    s1 = g1 / jnp.sqrt(v1 + EPS)
    t1 = b1 - m1 * s1
    s2 = g2 / jnp.sqrt(v2 + EPS)
    t2 = b2 - m2 * s2
    s3 = g3 / jnp.sqrt(v3 + EPS)
    t3 = b3 - m3 * s3

    a = W_feat * s1[None, :]
    bw8 = jnp.pad(W_xyz * s2[None, :], ((0, 5), (0, 0)))

    xyz2d = xyz.reshape(B * N, 3)
    nxyz2d = new_xyz.reshape(B * M, 3)
    xyzp = jnp.pad(xyz2d, ((0, 0), (0, 5)))
    nxp = jnp.pad(nxyz2d, ((0, 0), (0, 5)))

    p2d = _prows(feats.reshape(B * N, CI), xyzp, a, bw8, t1[None, :])

    px, py, pz = xyz2d[:, 0], xyz2d[:, 1], xyz2d[:, 2]
    cx, cy, cz = nxyz2d[:, 0], nxyz2d[:, 1], nxyz2d[:, 2]
    maxp, flag = _sc_ball_max(px, py, pz, cx, cy, cz, p2d)
    maxp = maxp.reshape(B * M, C0)

    out = _epilogue(maxp, nxp, flag[:, None], bw8, W_refine,
                    t2[None, :], s3[None, :], t3[None, :])
    return out.reshape(B, M, C1)

# --- scband reference (transcript-rebuilt; emitter-appended) ---
"""Pipeline reference for scband-fast-ball-query-point-grouping-6150393168283 (READ-ONLY COPY).

The authoritative reference and input builder live on the scoring server;
editing this copy changes nothing except your own understanding.
"""

import jax, jax.numpy as jnp
import numpy as np

B, N, M, K = 4, 8192, 2048, 32
CI, C0, C1 = 64, 64, 128
RADIUS = 1.0
EPS = 1e-5


def bn(x, g, b, m, v):
    return (x - m) / jnp.sqrt(v + EPS) * g + b


def ball_query(xyz, new_xyz):
    # squared distances (B, M, N) without materializing (B,M,N,3)
    d2 = (jnp.sum(new_xyz ** 2, -1)[:, :, None]
          + jnp.sum(xyz ** 2, -1)[:, None, :]
          - 2.0 * jnp.einsum('bmd,bnd->bmn', new_xyz, xyz))
    mask = d2 < RADIUS ** 2
    cnt = jnp.minimum(mask.sum(-1), K)
    key = jnp.where(mask, jnp.arange(N, dtype=jnp.int32)[None, None, :], N)
    neg_top, _ = jax.lax.top_k(-key, K)  # smallest K keys == first K in-ball indices
    sidx = -neg_top
    first = sidx[..., :1]
    idx = jnp.where(sidx == N, first, sidx)  # pad with first valid index (torch ball_query semantics)
    idx = jnp.where(idx == N, 0, idx)        # group entirely empty -> 0
    return cnt, idx


def gather(x, idx):
    # x: (B, N, C), idx: (B, M, K) -> (B, M, K, C)
    return jax.vmap(lambda f, i: f[i])(x, idx)


def setup_inputs(seed: int = 0) -> dict:
    key = jax.random.key(seed)
    ks = jax.random.split(key, 12)
    xyz = jax.random.normal(ks[0], (B, N, 3), jnp.float32)
    new_xyz = jax.random.normal(ks[1], (B, M, 3), jnp.float32)
    feats = jax.random.normal(ks[2], (B, N, CI), jnp.float32)
    W_feat = jax.random.normal(ks[3], (CI, C0), jnp.float32) * 0.05
    W_xyz = jax.random.normal(ks[4], (3, C0), jnp.float32) * 0.05
    W_refine = jax.random.normal(ks[5], (C0, C1), jnp.float32) * 0.05
    g1 = jax.random.uniform(ks[6], (C0,), jnp.float32, 0.5, 1.5)
    b1 = jax.random.normal(ks[7], (C0,), jnp.float32) * 0.1
    g2 = jax.random.uniform(ks[8], (C0,), jnp.float32, 0.5, 1.5)
    b2 = jax.random.normal(ks[9], (C0,), jnp.float32) * 0.1
    g3 = jax.random.uniform(ks[10], (C1,), jnp.float32, 0.5, 1.5)
    b3 = jax.random.normal(ks[11], (C1,), jnp.float32) * 0.1
    return {
        'xyz': xyz, 'new_xyz': new_xyz, 'feats': feats,
        'W_feat': W_feat, 'W_xyz': W_xyz, 'W_refine': W_refine,
        'g1': g1, 'b1': b1, 'm1': jnp.zeros((C0,)), 'v1': jnp.ones((C0,)),
        'g2': g2, 'b2': b2, 'm2': jnp.zeros((C0,)), 'v2': jnp.ones((C0,)),
        'g3': g3, 'b3': b3, 'm3': jnp.zeros((C1,)), 'v3': jnp.ones((C1,)),
    }


def reference(xyz, new_xyz, feats, W_feat, W_xyz, W_refine,
              g1, b1, m1, v1, g2, b2, m2, v2, g3, b3, m3, v3):
    # feat_encoder: Linear(no bias) + BN (eval stats)
    feat_feats = bn(feats @ W_feat, g1, b1, m1, v1)          # (B, N, C0)
    cnt, idx = ball_query(xyz, new_xyz)                       # (B, M), (B, M, K)
    grouped_xyz = gather(xyz, idx) - new_xyz[:, :, None, :]   # (B, M, K, 3)
    grouped_feat = gather(feat_feats, idx)                    # (B, M, K, C0)
    gx = bn(grouped_xyz @ W_xyz, g2, b2, m2, v2)              # xyz_encoder
    g = jax.nn.relu(gx + grouped_feat)                        # nonlinear
    newf = jnp.max(g, axis=2)                                 # (B, M, C0) max over neighbours
    newf = jax.nn.relu(bn(newf @ W_refine, g3, b3, m3, v3))   # refine mlps
    newf = newf * (cnt > 0).astype(newf.dtype)[..., None]     # empty mask
    return newf

if __name__ == "__main__":
    import jax
    _d = setup_inputs()
    print(jax.jit(kernel)(*tuple(_d.values())))

</pallas_src>

<mosaic_0001>
#map = affine_map<(d0, d1) -> (0)>
#map1 = affine_map<(d0, d1) -> (0, 0)>
module attributes {stable_mosaic.version = 14 : i64} {
  func.func @_sc_body(%arg0: i32, %arg1: i32, %arg2: memref<32768xf32, #tpu.memory_space<hbm>>, %arg3: memref<32768xf32, #tpu.memory_space<hbm>>, %arg4: memref<32768xf32, #tpu.memory_space<hbm>>, %arg5: memref<8192xf32, #tpu.memory_space<hbm>>, %arg6: memref<8192xf32, #tpu.memory_space<hbm>>, %arg7: memref<8192xf32, #tpu.memory_space<hbm>>, %arg8: memref<32768x128xf32, #tpu.memory_space<hbm>>, %arg9: memref<524288xf32, #tpu.memory_space<hbm>>, %arg10: memref<8192xf32, #tpu.memory_space<hbm>>, %arg11: memref<8192xf32, #tpu.memory_space<vmem>>, %arg12: memref<8192xf32, #tpu.memory_space<vmem>>, %arg13: memref<8192xf32, #tpu.memory_space<vmem>>, %arg14: memref<8192xf32, #tpu.memory_space<vmem>>, %arg15: memref<256xf32, #tpu.memory_space<vmem>>, %arg16: memref<256xf32, #tpu.memory_space<vmem>>, %arg17: memref<256xf32, #tpu.memory_space<vmem>>, %arg18: memref<256xf32, #tpu.memory_space<vmem>>, %arg19: memref<64xi32, #tpu.memory_space<vmem>>, %arg20: memref<64xi32, #tpu.memory_space<vmem>>, %arg21: memref<64xi32, #tpu.memory_space<vmem>>, %arg22: memref<64xi32, #tpu.memory_space<vmem>>, %arg23: memref<32x128xf32, #tpu.memory_space<vmem>>, %arg24: memref<32x128xf32, #tpu.memory_space<vmem>>, %arg25: memref<32x128xf32, #tpu.memory_space<vmem>>, %arg26: memref<32x128xf32, #tpu.memory_space<vmem>>, %arg27: memref<16384xf32, #tpu.memory_space<vmem>>, %arg28: memref<256xf32, #tpu.memory_space<vmem>>, %arg29: memref<!tpu.dma_semaphore, #tpu.memory_space<semaphore_mem>>, %arg30: memref<!tpu.dma_semaphore, #tpu.memory_space<semaphore_mem>>, %arg31: memref<!tpu.dma_semaphore, #tpu.memory_space<semaphore_mem>>, %arg32: memref<!tpu.dma_semaphore, #tpu.memory_space<semaphore_mem>>) attributes {dimension_semantics = [#tpu.dimension_semantics<core_parallel>, #tpu.dimension_semantics<subcore_parallel>], iteration_bounds = array<i64: 2, 16>, scalar_prefetch = 0 : i64, scratch_operands = 22 : i64, tpu.core_type = #tpu.core_type<sc_vector_subcore>, window_params = [{transform_indices = #map}, {transform_indices = #map}, {transform_indices = #map}, {transform_indices = #map}, {transform_indices = #map}, {transform_indices = #map}, {transform_indices = #map1}, {transform_indices = #map}, {transform_indices = #map}]} {
    %mul3A = arith.constant 2 : i32
    %mul3A_0 = arith.muli %arg1, %mul3A : i32
    %add3A = arith.addi %mul3A_0, %arg0 : i32
    %mul3A_1 = arith.constant 256 : i32
    %mul3A_2 = arith.muli %add3A, %mul3A_1 : i32
    %jit3A = arith.constant 2048 : i32
    %div3A = arith.divsi %mul3A_2, %jit3A : i32
    %sign3A = arith.constant 0 : i32
    %sign3A_3 = arith.cmpi sgt, %mul3A_2, %sign3A : i32
    %sign3A_4 = arith.extui %sign3A_3 : i1 to i32
    %sign3A_5 = arith.constant 0 : i32
    %sign3A_6 = arith.cmpi slt, %mul3A_2, %sign3A_5 : i32
    %sign3A_7 = arith.extui %sign3A_6 : i1 to i32
    %sign3A_8 = arith.subi %sign3A_4, %sign3A_7 : i32
    %sign3A_9 = arith.constant 0 : i32
    %sign3A_10 = arith.cmpi sgt, %jit3A, %sign3A_9 : i32
    %sign3A_11 = arith.extui %sign3A_10 : i1 to i32
    %sign3A_12 = arith.constant 0 : i32
    %sign3A_13 = arith.cmpi slt, %jit3A, %sign3A_12 : i32
    %sign3A_14 = arith.extui %sign3A_13 : i1 to i32
    %sign3A_15 = arith.subi %sign3A_11, %sign3A_14 : i32
    %ne3A = arith.cmpi ne, %sign3A_8, %sign3A_15 : i32
    %rem3A = arith.remsi %mul3A_2, %jit3A : i32
    %ne3A_16 = arith.constant 0 : i32
    %ne3A_17 = arith.cmpi ne, %rem3A, %ne3A_16 : i32
    %and3A = arith.andi %ne3A, %ne3A_17 : i1
    %sub3A = arith.constant 1 : i32
    %sub3A_18 = arith.subi %div3A, %sub3A : i32
    %select_n3A = arith.select %and3A, %sub3A_18, %div3A : i32
    %mul3A_19 = arith.constant 8192 : i32
    %mul3A_20 = arith.muli %select_n3A, %mul3A_19 : i32
    "tpu.region"() ({
      %run_scoped3A = tpu.sem_alloc : memref<!tpu.dma_semaphore, #tpu.memory_space<semaphore_mem>>
      %dma_start3A = tpu.memref_slice %arg2[%mul3A_20] : memref<32768xf32, #tpu.memory_space<hbm>> -> memref<8192xf32, #tpu.memory_space<hbm>>
      %dma_start3A_45 = tpu.memref_slice %arg2[%mul3A_20] : memref<32768xf32, #tpu.memory_space<hbm>> -> memref<8192xf32, #tpu.memory_space<hbm>>
      tpu.enqueue_dma source(%dma_start3A_45 : memref<8192xf32, #tpu.memory_space<hbm>>) target(%arg11 : memref<8192xf32, #tpu.memory_space<vmem>>) target_semaphore(%run_scoped3A : memref<!tpu.dma_semaphore, #tpu.memory_space<semaphore_mem>>)
      %dma_wait3A = tpu.memref_slice %arg2[%mul3A_20] : memref<32768xf32, #tpu.memory_space<hbm>> -> memref<8192xf32, #tpu.memory_space<hbm>>
      %dma_wait3A_46 = tpu.memref_slice %arg2[%mul3A_20] : memref<32768xf32, #tpu.memory_space<hbm>> -> memref<8192xf32, #tpu.memory_space<hbm>>
      tpu.wait_dma2 semaphore(%run_scoped3A : memref<!tpu.dma_semaphore, #tpu.memory_space<semaphore_mem>>) src(%dma_wait3A_46 : memref<8192xf32, #tpu.memory_space<hbm>>) dst(%arg11 : memref<8192xf32, #tpu.memory_space<vmem>>)
      tpu.yield
    }) : () -> ()
    "tpu.region"() ({
      %run_scoped3A = tpu.sem_alloc : memref<!tpu.dma_semaphore, #tpu.memory_space<semaphore_mem>>
      %dma_start3A = tpu.memref_slice %arg3[%mul3A_20] : memref<32768xf32, #tpu.memory_space<hbm>> -> memref<8192xf32, #tpu.memory_space<hbm>>
      %dma_start3A_45 = tpu.memref_slice %arg3[%mul3A_20] : memref<32768xf32, #tpu.memory_space<hbm>> -> memref<8192xf32, #tpu.memory_space<hbm>>
      tpu.enqueue_dma source(%dma_start3A_45 : memref<8192xf32, #tpu.memory_space<hbm>>) target(%arg12 : memref<8192xf32, #tpu.memory_space<vmem>>) target_semaphore(%run_scoped3A : memref<!tpu.dma_semaphore, #tpu.memory_space<semaphore_mem>>)
      %dma_wait3A = tpu.memref_slice %arg3[%mul3A_20] : memref<32768xf32, #tpu.memory_space<hbm>> -> memref<8192xf32, #tpu.memory_space<hbm>>
      %dma_wait3A_46 = tpu.memref_slice %arg3[%mul3A_20] : memref<32768xf32, #tpu.memory_space<hbm>> -> memref<8192xf32, #tpu.memory_space<hbm>>
      tpu.wait_dma2 semaphore(%run_scoped3A : memref<!tpu.dma_semaphore, #tpu.memory_space<semaphore_mem>>) src(%dma_wait3A_46 : memref<8192xf32, #tpu.memory_space<hbm>>) dst(%arg12 : memref<8192xf32, #tpu.memory_space<vmem>>)
      tpu.yield
    }) : () -> ()
    "tpu.region"() ({
      %run_scoped3A = tpu.sem_alloc : memref<!tpu.dma_semaphore, #tpu.memory_space<semaphore_mem>>
      %dma_start3A = tpu.memref_slice %arg4[%mul3A_20] : memref<32768xf32, #tpu.memory_space<hbm>> -> memref<8192xf32, #tpu.memory_space<hbm>>
      %dma_start3A_45 = tpu.memref_slice %arg4[%mul3A_20] : memref<32768xf32, #tpu.memory_space<hbm>> -> memref<8192xf32, #tpu.memory_space<hbm>>
      tpu.enqueue_dma source(%dma_start3A_45 : memref<8192xf32, #tpu.memory_space<hbm>>) target(%arg13 : memref<8192xf32, #tpu.memory_space<vmem>>) target_semaphore(%run_scoped3A : memref<!tpu.dma_semaphore, #tpu.memory_space<semaphore_mem>>)
      %dma_wait3A = tpu.memref_slice %arg4[%mul3A_20] : memref<32768xf32, #tpu.memory_space<hbm>> -> memref<8192xf32, #tpu.memory_space<hbm>>
      %dma_wait3A_46 = tpu.memref_slice %arg4[%mul3A_20] : memref<32768xf32, #tpu.memory_space<hbm>> -> memref<8192xf32, #tpu.memory_space<hbm>>
      tpu.wait_dma2 semaphore(%run_scoped3A : memref<!tpu.dma_semaphore, #tpu.memory_space<semaphore_mem>>) src(%dma_wait3A_46 : memref<8192xf32, #tpu.memory_space<hbm>>) dst(%arg13 : memref<8192xf32, #tpu.memory_space<vmem>>)
      tpu.yield
    }) : () -> ()
    "tpu.region"() ({
      %run_scoped3A = tpu.sem_alloc : memref<!tpu.dma_semaphore, #tpu.memory_space<semaphore_mem>>
      %dma_start3A = tpu.memref_slice %arg5[%mul3A_2] : memref<8192xf32, #tpu.memory_space<hbm>> -> memref<256xf32, #tpu.memory_space<hbm>>
      %dma_start3A_45 = tpu.memref_slice %arg5[%mul3A_2] : memref<8192xf32, #tpu.memory_space<hbm>> -> memref<256xf32, #tpu.memory_space<hbm>>
      tpu.enqueue_dma source(%dma_start3A_45 : memref<256xf32, #tpu.memory_space<hbm>>) target(%arg15 : memref<256xf32, #tpu.memory_space<vmem>>) target_semaphore(%run_scoped3A : memref<!tpu.dma_semaphore, #tpu.memory_space<semaphore_mem>>)
      %dma_wait3A = tpu.memref_slice %arg5[%mul3A_2] : memref<8192xf32, #tpu.memory_space<hbm>> -> memref<256xf32, #tpu.memory_space<hbm>>
      %dma_wait3A_46 = tpu.memref_slice %arg5[%mul3A_2] : memref<8192xf32, #tpu.memory_space<hbm>> -> memref<256xf32, #tpu.memory_space<hbm>>
      tpu.wait_dma2 semaphore(%run_scoped3A : memref<!tpu.dma_semaphore, #tpu.memory_space<semaphore_mem>>) src(%dma_wait3A_46 : memref<256xf32, #tpu.memory_space<hbm>>) dst(%arg15 : memref<256xf32, #tpu.memory_space<vmem>>)
      tpu.yield
    }) : () -> ()
    "tpu.region"() ({
      %run_scoped3A = tpu.sem_alloc : memref<!tpu.dma_semaphore, #tpu.memory_space<semaphore_mem>>
      %dma_start3A = tpu.memref_slice %arg6[%mul3A_2] : memref<8192xf32, #tpu.memory_space<hbm>> -> memref<256xf32, #tpu.memory_space<hbm>>
      %dma_start3A_45 = tpu.memref_slice %arg6[%mul3A_2] : memref<8192xf32, #tpu.memory_space<hbm>> -> memref<256xf32, #tpu.memory_space<hbm>>
      tpu.enqueue_dma source(%dma_start3A_45 : memref<256xf32, #tpu.memory_space<hbm>>) target(%arg16 : memref<256xf32, #tpu.memory_space<vmem>>) target_semaphore(%run_scoped3A : memref<!tpu.dma_semaphore, #tpu.memory_space<semaphore_mem>>)
      %dma_wait3A = tpu.memref_slice %arg6[%mul3A_2] : memref<8192xf32, #tpu.memory_space<hbm>> -> memref<256xf32, #tpu.memory_space<hbm>>
      %dma_wait3A_46 = tpu.memref_slice %arg6[%mul3A_2] : memref<8192xf32, #tpu.memory_space<hbm>> -> memref<256xf32, #tpu.memory_space<hbm>>
      tpu.wait_dma2 semaphore(%run_scoped3A : memref<!tpu.dma_semaphore, #tpu.memory_space<semaphore_mem>>) src(%dma_wait3A_46 : memref<256xf32, #tpu.memory_space<hbm>>) dst(%arg16 : memref<256xf32, #tpu.memory_space<vmem>>)
      tpu.yield
    }) : () -> ()
    "tpu.region"() ({
      %run_scoped3A = tpu.sem_alloc : memref<!tpu.dma_semaphore, #tpu.memory_space<semaphore_mem>>
      %dma_start3A = tpu.memref_slice %arg7[%mul3A_2] : memref<8192xf32, #tpu.memory_space<hbm>> -> memref<256xf32, #tpu.memory_space<hbm>>
      %dma_start3A_45 = tpu.memref_slice %arg7[%mul3A_2] : memref<8192xf32, #tpu.memory_space<hbm>> -> memref<256xf32, #tpu.memory_space<hbm>>
      tpu.enqueue_dma source(%dma_start3A_45 : memref<256xf32, #tpu.memory_space<hbm>>) target(%arg17 : memref<256xf32, #tpu.memory_space<vmem>>) target_semaphore(%run_scoped3A : memref<!tpu.dma_semaphore, #tpu.memory_space<semaphore_mem>>)
      %dma_wait3A = tpu.memref_slice %arg7[%mul3A_2] : memref<8192xf32, #tpu.memory_space<hbm>> -> memref<256xf32, #tpu.memory_space<hbm>>
      %dma_wait3A_46 = tpu.memref_slice %arg7[%mul3A_2] : memref<8192xf32, #tpu.memory_space<hbm>> -> memref<256xf32, #tpu.memory_space<hbm>>
      tpu.wait_dma2 semaphore(%run_scoped3A : memref<!tpu.dma_semaphore, #tpu.memory_space<semaphore_mem>>) src(%dma_wait3A_46 : memref<256xf32, #tpu.memory_space<hbm>>) dst(%arg17 : memref<256xf32, #tpu.memory_space<vmem>>)
      tpu.yield
    }) : () -> ()
    %scan3A = arith.constant 0 : i32
    %scan3A_21 = arith.constant 0 : i32
    %scan3A_22 = arith.constant 512 : i32
    %scan3A_23 = arith.addi %scan3A_21, %scan3A_22 : i32
    %scan3A_24 = arith.constant 1 : i32
    scf.for %scan3A_45 = %scan3A_21 to %scan3A_23 step %scan3A_24  : i32 {
      %mul3A_46 = arith.constant 16 : i32
      %mul3A_47 = arith.muli %scan3A_45, %mul3A_46 : i32
      %get3A = arith.index_cast %mul3A_47 : i32 to index
      %get3A_48 = tpu.vector_load %arg11[%get3A] {strides = array<i32>} : memref<8192xf32, #tpu.memory_space<vmem>>, vector<16xf32>,
      %mul3A_49 = arith.constant 16 : i32
      %mul3A_50 = arith.muli %scan3A_45, %mul3A_49 : i32
      %get3A_51 = arith.index_cast %mul3A_50 : i32 to index
      %get3A_52 = tpu.vector_load %arg12[%get3A_51] {strides = array<i32>} : memref<8192xf32, #tpu.memory_space<vmem>>, vector<16xf32>,
      %mul3A_53 = arith.constant 16 : i32
      %mul3A_54 = arith.muli %scan3A_45, %mul3A_53 : i32
      %get3A_55 = arith.index_cast %mul3A_54 : i32 to index
      %get3A_56 = tpu.vector_load %arg13[%get3A_55] {strides = array<i32>} : memref<8192xf32, #tpu.memory_space<vmem>>, vector<16xf32>,
      %mul3A_57 = arith.mulf %get3A_48, %get3A_48 : vector<16xf32>
      %mul3A_58 = arith.mulf %get3A_52, %get3A_52 : vector<16xf32>
      %add3A_59 = arith.addf %mul3A_57, %mul3A_58 : vector<16xf32>
      %mul3A_60 = arith.mulf %get3A_56, %get3A_56 : vector<16xf32>
      %add3A_61 = arith.addf %add3A_59, %mul3A_60 : vector<16xf32>
      %mul3A_62 = arith.constant 16 : i32
      %mul3A_63 = arith.muli %scan3A_45, %mul3A_62 : i32
      %swap3A = arith.index_cast %mul3A_63 : i32 to index
      %swap3A_64 = tpu.vector_load %arg14[%swap3A] {strides = array<i32>} : memref<8192xf32, #tpu.memory_space<vmem>>, vector<16xf32>,
      tpu.vector_store %arg14[%swap3A], %add3A_61 {strides = array<i32>} : memref<8192xf32, #tpu.memory_space<vmem>>, vector<16xf32>,
      %bitcast3A = vector.bitcast %get3A_48 : vector<16xf32> to vector<16xi32>
      %add3A_65 = arith.constant 32767 : i32
      %add3A_66 = vector.broadcast %add3A_65 : i32 to vector<16xi32>
      %add3A_67 = arith.addi %bitcast3A, %add3A_66 : vector<16xi32>
      %shift_right_logical3A = arith.constant 16 : i32
      %shift_right_logical3A_68 = vector.broadcast %shift_right_logical3A : i32 to vector<16xi32>
      %shift_right_logical3A_69 = arith.shrui %bitcast3A, %shift_right_logical3A_68 : vector<16xi32>
      %and3A_70 = arith.constant 1 : i32
      %and3A_71 = vector.broadcast %and3A_70 : i32 to vector<16xi32>
      %and3A_72 = arith.andi %shift_right_logical3A_69, %and3A_71 : vector<16xi32>
      %add3A_73 = arith.addi %add3A_67, %and3A_72 : vector<16xi32>
      %and3A_74 = arith.constant -65536 : i32
      %and3A_75 = vector.broadcast %and3A_74 : i32 to vector<16xi32>
      %and3A_76 = arith.andi %add3A_73, %and3A_75 : vector<16xi32>
      %bitcast3A_77 = vector.bitcast %and3A_76 : vector<16xi32> to vector<16xf32>
      %mul3A_78 = arith.constant 16 : i32
      %mul3A_79 = arith.muli %scan3A_45, %mul3A_78 : i32
      %swap3A_80 = arith.index_cast %mul3A_79 : i32 to index
      %swap3A_81 = tpu.vector_load %arg11[%swap3A_80] {strides = array<i32>} : memref<8192xf32, #tpu.memory_space<vmem>>, vector<16xf32>,
      tpu.vector_store %arg11[%swap3A_80], %bitcast3A_77 {strides = array<i32>} : memref<8192xf32, #tpu.memory_space<vmem>>, vector<16xf32>,
      %bitcast3A_82 = vector.bitcast %get3A_52 : vector<16xf32> to vector<16xi32>
      %add3A_83 = arith.constant 32767 : i32
      %add3A_84 = vector.broadcast %add3A_83 : i32 to vector<16xi32>
      %add3A_85 = arith.addi %bitcast3A_82, %add3A_84 : vector<16xi32>
      %shift_right_logical3A_86 = arith.constant 16 : i32
      %shift_right_logical3A_87 = vector.broadcast %shift_right_logical3A_86 : i32 to vector<16xi32>
      %shift_right_logical3A_88 = arith.shrui %bitcast3A_82, %shift_right_logical3A_87 : vector<16xi32>
      %and3A_89 = arith.constant 1 : i32
      %and3A_90 = vector.broadcast %and3A_89 : i32 to vector<16xi32>
      %and3A_91 = arith.andi %shift_right_logical3A_88, %and3A_90 : vector<16xi32>
      %add3A_92 = arith.addi %add3A_85, %and3A_91 : vector<16xi32>
      %and3A_93 = arith.constant -65536 : i32
      %and3A_94 = vector.broadcast %and3A_93 : i32 to vector<16xi32>
      %and3A_95 = arith.andi %add3A_92, %and3A_94 : vector<16xi32>
      %bitcast3A_96 = vector.bitcast %and3A_95 : vector<16xi32> to vector<16xf32>
      %mul3A_97 = arith.constant 16 : i32
      %mul3A_98 = arith.muli %scan3A_45, %mul3A_97 : i32
      %swap3A_99 = arith.index_cast %mul3A_98 : i32 to index
      %swap3A_100 = tpu.vector_load %arg12[%swap3A_99] {strides = array<i32>} : memref<8192xf32, #tpu.memory_space<vmem>>, vector<16xf32>,
      tpu.vector_store %arg12[%swap3A_99], %bitcast3A_96 {strides = array<i32>} : memref<8192xf32, #tpu.memory_space<vmem>>, vector<16xf32>,
      %bitcast3A_101 = vector.bitcast %get3A_56 : vector<16xf32> to vector<16xi32>
      %add3A_102 = arith.constant 32767 : i32
      %add3A_103 = vector.broadcast %add3A_102 : i32 to vector<16xi32>
      %add3A_104 = arith.addi %bitcast3A_101, %add3A_103 : vector<16xi32>
      %shift_right_logical3A_105 = arith.constant 16 : i32
      %shift_right_logical3A_106 = vector.broadcast %shift_right_logical3A_105 : i32 to vector<16xi32>
      %shift_right_logical3A_107 = arith.shrui %bitcast3A_101, %shift_right_logical3A_106 : vector<16xi32>
      %and3A_108 = arith.constant 1 : i32
      %and3A_109 = vector.broadcast %and3A_108 : i32 to vector<16xi32>
      %and3A_110 = arith.andi %shift_right_logical3A_107, %and3A_109 : vector<16xi32>
      %add3A_111 = arith.addi %add3A_104, %and3A_110 : vector<16xi32>
      %and3A_112 = arith.constant -65536 : i32
      %and3A_113 = vector.broadcast %and3A_112 : i32 to vector<16xi32>
      %and3A_114 = arith.andi %add3A_111, %and3A_113 : vector<16xi32>
      %bitcast3A_115 = vector.bitcast %and3A_114 : vector<16xi32> to vector<16xf32>
      %mul3A_116 = arith.constant 16 : i32
      %mul3A_117 = arith.muli %scan3A_45, %mul3A_116 : i32
      %swap3A_118 = arith.index_cast %mul3A_117 : i32 to index
      %swap3A_119 = tpu.vector_load %arg13[%swap3A_118] {strides = array<i32>} : memref<8192xf32, #tpu.memory_space<vmem>>, vector<16xf32>,
      tpu.vector_store %arg13[%swap3A_118], %bitcast3A_115 {strides = array<i32>} : memref<8192xf32, #tpu.memory_space<vmem>>, vector<16xf32>,
    }
    %scan3A_25 = arith.constant 512 : i32
    %scan3A_26 = arith.constant 0 : i32
    %scan3A_27 = arith.constant 0 : i32
    %scan3A_28 = arith.constant 16 : i32
    %scan3A_29 = arith.addi %scan3A_27, %scan3A_28 : i32
    %scan3A_30 = arith.constant 1 : i32
    scf.for %scan3A_45 = %scan3A_27 to %scan3A_29 step %scan3A_30  : i32 {
      %mul3A_46 = arith.constant 16 : i32
      %mul3A_47 = arith.muli %scan3A_45, %mul3A_46 : i32
      %get3A = arith.index_cast %mul3A_47 : i32 to index
      %get3A_48 = tpu.vector_load %arg15[%get3A] {strides = array<i32>} : memref<256xf32, #tpu.memory_space<vmem>>, vector<16xf32>,
      %mul3A_49 = arith.constant 16 : i32
      %mul3A_50 = arith.muli %scan3A_45, %mul3A_49 : i32
      %get3A_51 = arith.index_cast %mul3A_50 : i32 to index
      %get3A_52 = tpu.vector_load %arg16[%get3A_51] {strides = array<i32>} : memref<256xf32, #tpu.memory_space<vmem>>, vector<16xf32>,
      %mul3A_53 = arith.constant 16 : i32
      %mul3A_54 = arith.muli %scan3A_45, %mul3A_53 : i32
      %get3A_55 = arith.index_cast %mul3A_54 : i32 to index
      %get3A_56 = tpu.vector_load %arg17[%get3A_55] {strides = array<i32>} : memref<256xf32, #tpu.memory_space<vmem>>, vector<16xf32>,
      %mul3A_57 = arith.mulf %get3A_48, %get3A_48 : vector<16xf32>
      %mul3A_58 = arith.mulf %get3A_52, %get3A_52 : vector<16xf32>
      %add3A_59 = arith.addf %mul3A_57, %mul3A_58 : vector<16xf32>
      %mul3A_60 = arith.mulf %get3A_56, %get3A_56 : vector<16xf32>
      %add3A_61 = arith.addf %add3A_59, %mul3A_60 : vector<16xf32>
      %mul3A_62 = arith.constant 16 : i32
      %mul3A_63 = arith.muli %scan3A_45, %mul3A_62 : i32
      %swap3A = arith.index_cast %mul3A_63 : i32 to index
      %swap3A_64 = tpu.vector_load %arg18[%swap3A] {strides = array<i32>} : memref<256xf32, #tpu.memory_space<vmem>>, vector<16xf32>,
      tpu.vector_store %arg18[%swap3A], %add3A_61 {strides = array<i32>} : memref<256xf32, #tpu.memory_space<vmem>>, vector<16xf32>,
      %bitcast3A = vector.bitcast %get3A_48 : vector<16xf32> to vector<16xi32>
      %add3A_65 = arith.constant 32767 : i32
      %add3A_66 = vector.broadcast %add3A_65 : i32 to vector<16xi32>
      %add3A_67 = arith.addi %bitcast3A, %add3A_66 : vector<16xi32>
      %shift_right_logical3A = arith.constant 16 : i32
      %shift_right_logical3A_68 = vector.broadcast %shift_right_logical3A : i32 to vector<16xi32>
      %shift_right_logical3A_69 = arith.shrui %bitcast3A, %shift_right_logical3A_68 : vector<16xi32>
      %and3A_70 = arith.constant 1 : i32
      %and3A_71 = vector.broadcast %and3A_70 : i32 to vector<16xi32>
      %and3A_72 = arith.andi %shift_right_logical3A_69, %and3A_71 : vector<16xi32>
      %add3A_73 = arith.addi %add3A_67, %and3A_72 : vector<16xi32>
      %and3A_74 = arith.constant -65536 : i32
      %and3A_75 = vector.broadcast %and3A_74 : i32 to vector<16xi32>
      %and3A_76 = arith.andi %add3A_73, %and3A_75 : vector<16xi32>
      %bitcast3A_77 = vector.bitcast %and3A_76 : vector<16xi32> to vector<16xf32>
      %mul3A_78 = arith.constant 16 : i32
      %mul3A_79 = arith.muli %scan3A_45, %mul3A_78 : i32
      %swap3A_80 = arith.index_cast %mul3A_79 : i32 to index
      %swap3A_81 = tpu.vector_load %arg15[%swap3A_80] {strides = array<i32>} : memref<256xf32, #tpu.memory_space<vmem>>, vector<16xf32>,
      tpu.vector_store %arg15[%swap3A_80], %bitcast3A_77 {strides = array<i32>} : memref<256xf32, #tpu.memory_space<vmem>>, vector<16xf32>,
      %bitcast3A_82 = vector.bitcast %get3A_52 : vector<16xf32> to vector<16xi32>
      %add3A_83 = arith.constant 32767 : i32
      %add3A_84 = vector.broadcast %add3A_83 : i32 to vector<16xi32>
      %add3A_85 = arith.addi %bitcast3A_82, %add3A_84 : vector<16xi32>
      %shift_right_logical3A_86 = arith.constant 16 : i32
      %shift_right_logical3A_87 = vector.broadcast %shift_right_logical3A_86 : i32 to vector<16xi32>
      %shift_right_logical3A_88 = arith.shrui %bitcast3A_82, %shift_right_logical3A_87 : vector<16xi32>
      %and3A_89 = arith.constant 1 : i32
      %and3A_90 = vector.broadcast %and3A_89 : i32 to vector<16xi32>
      %and3A_91 = arith.andi %shift_right_logical3A_88, %and3A_90 : vector<16xi32>
      %add3A_92 = arith.addi %add3A_85, %and3A_91 : vector<16xi32>
      %and3A_93 = arith.constant -65536 : i32
      %and3A_94 = vector.broadcast %and3A_93 : i32 to vector<16xi32>
      %and3A_95 = arith.andi %add3A_92, %and3A_94 : vector<16xi32>
      %bitcast3A_96 = vector.bitcast %and3A_95 : vector<16xi32> to vector<16xf32>
      %mul3A_97 = arith.constant 16 : i32
      %mul3A_98 = arith.muli %scan3A_45, %mul3A_97 : i32
      %swap3A_99 = arith.index_cast %mul3A_98 : i32 to index
      %swap3A_100 = tpu.vector_load %arg16[%swap3A_99] {strides = array<i32>} : memref<256xf32, #tpu.memory_space<vmem>>, vector<16xf32>,
      tpu.vector_store %arg16[%swap3A_99], %bitcast3A_96 {strides = array<i32>} : memref<256xf32, #tpu.memory_space<vmem>>, vector<16xf32>,
      %bitcast3A_101 = vector.bitcast %get3A_56 : vector<16xf32> to vector<16xi32>
      %add3A_102 = arith.constant 32767 : i32
      %add3A_103 = vector.broadcast %add3A_102 : i32 to vector<16xi32>
      %add3A_104 = arith.addi %bitcast3A_101, %add3A_103 : vector<16xi32>
      %shift_right_logical3A_105 = arith.constant 16 : i32
      %shift_right_logical3A_106 = vector.broadcast %shift_right_logical3A_105 : i32 to vector<16xi32>
      %shift_right_logical3A_107 = arith.shrui %bitcast3A_101, %shift_right_logical3A_106 : vector<16xi32>
      %and3A_108 = arith.constant 1 : i32
      %and3A_109 = vector.broadcast %and3A_108 : i32 to vector<16xi32>
      %and3A_110 = arith.andi %shift_right_logical3A_107, %and3A_109 : vector<16xi32>
      %add3A_111 = arith.addi %add3A_104, %and3A_110 : vector<16xi32>
      %and3A_112 = arith.constant -65536 : i32
      %and3A_113 = vector.broadcast %and3A_112 : i32 to vector<16xi32>
      %and3A_114 = arith.andi %add3A_111, %and3A_113 : vector<16xi32>
      %bitcast3A_115 = vector.bitcast %and3A_114 : vector<16xi32> to vector<16xf32>
      %mul3A_116 = arith.constant 16 : i32
      %mul3A_117 = arith.muli %scan3A_45, %mul3A_116 : i32
      %swap3A_118 = arith.index_cast %mul3A_117 : i32 to index
      %swap3A_119 = tpu.vector_load %arg17[%swap3A_118] {strides = array<i32>} : memref<256xf32, #tpu.memory_space<vmem>>, vector<16xf32>,
      tpu.vector_store %arg17[%swap3A_118], %bitcast3A_115 {strides = array<i32>} : memref<256xf32, #tpu.memory_space<vmem>>, vector<16xf32>,
    }
    %scan3A_31 = arith.constant 16 : i32
    %iota3A = tpu.iota {dimensions = array<i32: 0>} : vector<16xi32>
    %broadcast_in_dim3A = arith.constant 0.000000e+00 : f32
    %broadcast_in_dim3A_32 = vector.broadcast %broadcast_in_dim3A : f32 to vector<16xf32>
    %broadcast_in_dim3A_33 = arith.constant 1.000000e+00 : f32
    %broadcast_in_dim3A_34 = vector.broadcast %broadcast_in_dim3A_33 : f32 to vector<16xf32>
    %eq3A = arith.constant 0 : i32
    %eq3A_35 = vector.broadcast %eq3A : i32 to vector<16xi32>
    %eq3A_36 = arith.cmpi eq, %iota3A, %eq3A_35 : vector<16xi32>
    %scan3A_37 = arith.constant 0 : i32
    %scan3A_38 = arith.constant 0 : i32
    %scan3A_39 = arith.constant 64 : i32
    %scan3A_40 = arith.addi %scan3A_38, %scan3A_39 : i32
    %scan3A_41 = arith.constant 1 : i32
    scf.for %scan3A_45 = %scan3A_38 to %scan3A_40 step %scan3A_41  : i32 {
      %mul3A_46 = arith.constant 4 : i32
      %mul3A_47 = arith.muli %scan3A_45, %mul3A_46 : i32
      %add3A_48 = arith.constant 0 : i32
      %add3A_49 = arith.addi %mul3A_47, %add3A_48 : i32
      %broadcast_in_dim3A_50 = vector.broadcast %add3A_49 : i32 to vector<16xi32>
      %gather3A = tpu.vector_load_idx %arg15[%broadcast_in_dim3A_50] : memref<256xf32, #tpu.memory_space<vmem>>[vector<16xi32>], vector<16xf32>,
      %gather3A_51 = tpu.vector_load_idx %arg16[%broadcast_in_dim3A_50] : memref<256xf32, #tpu.memory_space<vmem>>[vector<16xi32>], vector<16xf32>,
      %gather3A_52 = tpu.vector_load_idx %arg17[%broadcast_in_dim3A_50] : memref<256xf32, #tpu.memory_space<vmem>>[vector<16xi32>], vector<16xf32>,
      %gather3A_53 = tpu.vector_load_idx %arg18[%broadcast_in_dim3A_50] : memref<256xf32, #tpu.memory_space<vmem>>[vector<16xi32>], vector<16xf32>,
      %while3A = arith.constant 0 : i32
      %while3A_54 = arith.constant 0 : i32
      %while3A_55:2 = scf.while (%while3A_431 = %while3A, %while3A_432 = %while3A_54) : (i32, i32) -> (i32, i32) {
        %lt3A_433 = arith.constant 8192 : i32
        %lt3A_434 = arith.cmpi slt, %while3A_431, %lt3A_433 : i32
        %lt3A_435 = arith.constant 32 : i32
        %lt3A_436 = arith.cmpi slt, %while3A_432, %lt3A_435 : i32
        %and3A_437 = arith.andi %lt3A_434, %lt3A_436 : i1
        scf.condition(%and3A_437) %while3A_431, %while3A_432 : i32, i32
      } do {
      ^bb0(%while3A_431: i32, %while3A_432: i32):
        %add3A_433 = arith.constant 16 : i32
        %add3A_434 = arith.addi %while3A_431, %add3A_433 : i32
        %get3A_435 = arith.index_cast %while3A_431 : i32 to index
        %get3A_436 = tpu.vector_load %arg11[%get3A_435] {strides = array<i32>} : memref<8192xf32, #tpu.memory_space<vmem>>, vector<16xf32>,
        %mul3A_437 = arith.mulf %gather3A, %get3A_436 : vector<16xf32>
        %get3A_438 = arith.index_cast %while3A_431 : i32 to index
        %get3A_439 = tpu.vector_load %arg12[%get3A_438] {strides = array<i32>} : memref<8192xf32, #tpu.memory_space<vmem>>, vector<16xf32>,
        %mul3A_440 = arith.mulf %gather3A_51, %get3A_439 : vector<16xf32>
        %add3A_441 = arith.addf %mul3A_437, %mul3A_440 : vector<16xf32>
        %get3A_442 = arith.index_cast %while3A_431 : i32 to index
        %get3A_443 = tpu.vector_load %arg13[%get3A_442] {strides = array<i32>} : memref<8192xf32, #tpu.memory_space<vmem>>, vector<16xf32>,
        %mul3A_444 = arith.mulf %gather3A_52, %get3A_443 : vector<16xf32>
        %add3A_445 = arith.addf %add3A_441, %mul3A_444 : vector<16xf32>
        %get3A_446 = arith.index_cast %while3A_431 : i32 to index
        %get3A_447 = tpu.vector_load %arg14[%get3A_446] {strides = array<i32>} : memref<8192xf32, #tpu.memory_space<vmem>>, vector<16xf32>,
        %add3A_448 = arith.addf %gather3A_53, %get3A_447 : vector<16xf32>
        %mul3A_449 = arith.constant 2.000000e+00 : f32
        %mul3A_450 = vector.broadcast %mul3A_449 : f32 to vector<16xf32>
        %mul3A_451 = arith.mulf %mul3A_450, %add3A_445 : vector<16xf32>
        %sub3A_452 = arith.subf %add3A_448, %mul3A_451 : vector<16xf32>
        %get3A_453 = arith.index_cast %add3A_434 : i32 to index
        %get3A_454 = tpu.vector_load %arg11[%get3A_453] {strides = array<i32>} : memref<8192xf32, #tpu.memory_space<vmem>>, vector<16xf32>,
        %mul3A_455 = arith.mulf %gather3A, %get3A_454 : vector<16xf32>
        %get3A_456 = arith.index_cast %add3A_434 : i32 to index
        %get3A_457 = tpu.vector_load %arg12[%get3A_456] {strides = array<i32>} : memref<8192xf32, #tpu.memory_space<vmem>>, vector<16xf32>,
        %mul3A_458 = arith.mulf %gather3A_51, %get3A_457 : vector<16xf32>
        %add3A_459 = arith.addf %mul3A_455, %mul3A_458 : vector<16xf32>
        %get3A_460 = arith.index_cast %add3A_434 : i32 to index
        %get3A_461 = tpu.vector_load %arg13[%get3A_460] {strides = array<i32>} : memref<8192xf32, #tpu.memory_space<vmem>>, vector<16xf32>,
        %mul3A_462 = arith.mulf %gather3A_52, %get3A_461 : vector<16xf32>
        %add3A_463 = arith.addf %add3A_459, %mul3A_462 : vector<16xf32>
        %get3A_464 = arith.index_cast %add3A_434 : i32 to index
        %get3A_465 = tpu.vector_load %arg14[%get3A_464] {strides = array<i32>} : memref<8192xf32, #tpu.memory_space<vmem>>, vector<16xf32>,
        %add3A_466 = arith.addf %gather3A_53, %get3A_465 : vector<16xf32>
        %mul3A_467 = arith.constant 2.000000e+00 : f32
        %mul3A_468 = vector.broadcast %mul3A_467 : f32 to vector<16xf32>
        %mul3A_469 = arith.mulf %mul3A_468, %add3A_463 : vector<16xf32>
        %sub3A_470 = arith.subf %add3A_466, %mul3A_469 : vector<16xf32>
        %lt3A_471 = arith.constant 1.000000e+00 : f32
        %lt3A_472 = vector.broadcast %lt3A_471 : f32 to vector<16xf32>
        %lt3A_473 = arith.cmpf olt, %sub3A_452, %lt3A_472 : vector<16xf32>
        %lt3A_474 = arith.constant 1.000000e+00 : f32
        %lt3A_475 = vector.broadcast %lt3A_474 : f32 to vector<16xf32>
        %lt3A_476 = arith.cmpf olt, %sub3A_470, %lt3A_475 : vector<16xf32>
        %add3A_477 = arith.addi %mul3A_20, %while3A_431 : i32
        %add3A_478 = vector.broadcast %add3A_477 : i32 to vector<16xi32>
        %add3A_479 = arith.addi %add3A_478, %iota3A : vector<16xi32>
        %swap3A_480 = arith.index_cast %while3A_432 : i32 to index
        %swap3A_481 = tpu.vector_load %arg19[%swap3A_480] masked %lt3A_473 {strides = array<i32>} : memref<64xi32, #tpu.memory_space<vmem>>, vector<16xi32>, vector<16xi1>
        tpu.vector_store %arg19[%swap3A_480], %add3A_479 masked %lt3A_473 {strides = array<i32>} : memref<64xi32, #tpu.memory_space<vmem>>, vector<16xi32>, vector<16xi1>
        %all_reduce_population_count3A = tpu.all_reduce %lt3A_473 {dim = 0 : i64, kind = #tpu.reduction_kind<sum>} : vector<16xi1> -> vector<16xi32>
        %slice3A = vector.extract_strided_slice %all_reduce_population_count3A {offsets = [0], sizes = [1], strides = [1]} : vector<16xi32> to vector<1xi32>
        %squeeze3A = vector.extract %slice3A[0] : i32 from vector<1xi32>
        %add3A_482 = arith.addi %while3A_432, %squeeze3A : i32
        %add3A_483 = arith.constant 16 : i32
        %add3A_484 = vector.broadcast %add3A_483 : i32 to vector<16xi32>
        %add3A_485 = arith.addi %add3A_479, %add3A_484 : vector<16xi32>
        %swap3A_486 = arith.index_cast %add3A_482 : i32 to index
        %swap3A_487 = tpu.vector_load %arg19[%swap3A_486] masked %lt3A_476 {strides = array<i32>} : memref<64xi32, #tpu.memory_space<vmem>>, vector<16xi32>, vector<16xi1>
        tpu.vector_store %arg19[%swap3A_486], %add3A_485 masked %lt3A_476 {strides = array<i32>} : memref<64xi32, #tpu.memory_space<vmem>>, vector<16xi32>, vector<16xi1>
        %all_reduce_population_count3A_488 = tpu.all_reduce %lt3A_476 {dim = 0 : i64, kind = #tpu.reduction_kind<sum>} : vector<16xi1> -> vector<16xi32>
        %slice3A_489 = vector.extract_strided_slice %all_reduce_population_count3A_488 {offsets = [0], sizes = [1], strides = [1]} : vector<16xi32> to vector<1xi32>
        %squeeze3A_490 = vector.extract %slice3A_489[0] : i32 from vector<1xi32>
        %add3A_491 = arith.constant 32 : i32
        %add3A_492 = arith.addi %while3A_431, %add3A_491 : i32
        %add3A_493 = arith.addi %add3A_482, %squeeze3A_490 : i32
        scf.yield %add3A_492, %add3A_493 : i32, i32
      }
      %get3A = arith.constant 0 : index
      %get3A_56 = tpu.vector_load %arg19[%get3A] {strides = array<i32>} : memref<64xi32, #tpu.memory_space<vmem>>, vector<16xi32>,
      %jit3A_57 = arith.constant 0 : i32
      %broadcast_in_dim3A_58 = vector.broadcast %jit3A_57 : i32 to vector<16xi32>
      %select_n3A_59 = arith.select %eq3A_36, %get3A_56, %broadcast_in_dim3A_58 : vector<16xi1>, vector<16xi32>
      %reduce_sum3A = arith.constant true
      %reduce_sum3A_60 = vector.broadcast %reduce_sum3A : i1 to vector<16xi1>
      %reduce_sum3A_61 = tpu.scan <sum>, %select_n3A_59 masked %reduce_sum3A_60 : vector<16xi32>, vector<16xi1> -> vector<16xi32>
      %reduce_sum3A_62 = vector.extract %reduce_sum3A_61[15] : i32 from vector<16xi32>
      %gt3A = arith.constant 0 : i32
      %gt3A_63 = arith.cmpi sgt, %while3A_55#1, %gt3A : i32
      %jit3A_64 = arith.constant 0 : i32
      %select_n3A_65 = arith.select %gt3A_63, %reduce_sum3A_62, %jit3A_64 : i32
      %broadcast_in_dim3A_66 = vector.broadcast %select_n3A_65 : i32 to vector<16xi32>
      %get3A_67 = arith.constant 0 : index
      %get3A_68 = tpu.vector_load %arg19[%get3A_67] {strides = array<i32>} : memref<64xi32, #tpu.memory_space<vmem>>, vector<16xi32>,
      %add3A_69 = arith.constant 0 : i32
      %add3A_70 = vector.broadcast %add3A_69 : i32 to vector<16xi32>
      %add3A_71 = arith.addi %iota3A, %add3A_70 : vector<16xi32>
      %lt3A = vector.broadcast %while3A_55#1 : i32 to vector<16xi32>
      %lt3A_72 = arith.cmpi slt, %add3A_71, %lt3A : vector<16xi32>
      %select_n3A_73 = arith.select %lt3A_72, %get3A_68, %broadcast_in_dim3A_66 : vector<16xi1>, vector<16xi32>
      %swap3A = arith.constant 0 : index
      %swap3A_74 = tpu.vector_load %arg19[%swap3A] {strides = array<i32>} : memref<64xi32, #tpu.memory_space<vmem>>, vector<16xi32>,
      tpu.vector_store %arg19[%swap3A], %select_n3A_73 {strides = array<i32>} : memref<64xi32, #tpu.memory_space<vmem>>, vector<16xi32>,
      %get3A_75 = arith.constant 16 : index
      %get3A_76 = tpu.vector_load %arg19[%get3A_75] {strides = array<i32>} : memref<64xi32, #tpu.memory_space<vmem>>, vector<16xi32>,
      %add3A_77 = arith.constant 16 : i32
      %add3A_78 = vector.broadcast %add3A_77 : i32 to vector<16xi32>
      %add3A_79 = arith.addi %iota3A, %add3A_78 : vector<16xi32>
      %lt3A_80 = vector.broadcast %while3A_55#1 : i32 to vector<16xi32>
      %lt3A_81 = arith.cmpi slt, %add3A_79, %lt3A_80 : vector<16xi32>
      %select_n3A_82 = arith.select %lt3A_81, %get3A_76, %broadcast_in_dim3A_66 : vector<16xi1>, vector<16xi32>
      %swap3A_83 = arith.constant 16 : index
      %swap3A_84 = tpu.vector_load %arg19[%swap3A_83] {strides = array<i32>} : memref<64xi32, #tpu.memory_space<vmem>>, vector<16xi32>,
      tpu.vector_store %arg19[%swap3A_83], %select_n3A_82 {strides = array<i32>} : memref<64xi32, #tpu.memory_space<vmem>>, vector<16xi32>,
      %dma_start3A = arith.constant 0 : i32
      %dma_start3A_85 = tpu.memref_slice %arg19[%dma_start3A] : memref<64xi32, #tpu.memory_space<vmem>> -> memref<32xi32, #tpu.memory_space<vmem>>
      %dma_start3A_86 = arith.constant 0 : i32
      %dma_start3A_87 = arith.constant 0 : i32
      %dma_start3A_88 = tpu.memref_slice %arg8[%dma_start3A_86, %dma_start3A_87] : memref<32768x128xf32, #tpu.memory_space<hbm>> -> memref<32768x128xf32, #tpu.memory_space<hbm>>
      tpu.enqueue_indirect_dma source(%dma_start3A_88 : memref<32768x128xf32, #tpu.memory_space<hbm>>) target(%arg23 : memref<32x128xf32, #tpu.memory_space<vmem>>) offsets(%dma_start3A_85 : memref<32xi32, #tpu.memory_space<vmem>>) semaphore(%arg29 : memref<!tpu.dma_semaphore, #tpu.memory_space<semaphore_mem>>)
      %add3A_89 = arith.constant 1 : i32
      %add3A_90 = arith.addi %mul3A_47, %add3A_89 : i32
      %broadcast_in_dim3A_91 = vector.broadcast %add3A_90 : i32 to vector<16xi32>
      %gather3A_92 = tpu.vector_load_idx %arg15[%broadcast_in_dim3A_91] : memref<256xf32, #tpu.memory_space<vmem>>[vector<16xi32>], vector<16xf32>,
      %gather3A_93 = tpu.vector_load_idx %arg16[%broadcast_in_dim3A_91] : memref<256xf32, #tpu.memory_space<vmem>>[vector<16xi32>], vector<16xf32>,
      %gather3A_94 = tpu.vector_load_idx %arg17[%broadcast_in_dim3A_91] : memref<256xf32, #tpu.memory_space<vmem>>[vector<16xi32>], vector<16xf32>,
      %gather3A_95 = tpu.vector_load_idx %arg18[%broadcast_in_dim3A_91] : memref<256xf32, #tpu.memory_space<vmem>>[vector<16xi32>], vector<16xf32>,
      %while3A_96 = arith.constant 0 : i32
      %while3A_97 = arith.constant 0 : i32
      %while3A_98:2 = scf.while (%while3A_431 = %while3A_96, %while3A_432 = %while3A_97) : (i32, i32) -> (i32, i32) {
        %lt3A_433 = arith.constant 8192 : i32
        %lt3A_434 = arith.cmpi slt, %while3A_431, %lt3A_433 : i32
        %lt3A_435 = arith.constant 32 : i32
        %lt3A_436 = arith.cmpi slt, %while3A_432, %lt3A_435 : i32
        %and3A_437 = arith.andi %lt3A_434, %lt3A_436 : i1
        scf.condition(%and3A_437) %while3A_431, %while3A_432 : i32, i32
      } do {
      ^bb0(%while3A_431: i32, %while3A_432: i32):
        %add3A_433 = arith.constant 16 : i32
        %add3A_434 = arith.addi %while3A_431, %add3A_433 : i32
        %get3A_435 = arith.index_cast %while3A_431 : i32 to index
        %get3A_436 = tpu.vector_load %arg11[%get3A_435] {strides = array<i32>} : memref<8192xf32, #tpu.memory_space<vmem>>, vector<16xf32>,
        %mul3A_437 = arith.mulf %gather3A_92, %get3A_436 : vector<16xf32>
        %get3A_438 = arith.index_cast %while3A_431 : i32 to index
        %get3A_439 = tpu.vector_load %arg12[%get3A_438] {strides = array<i32>} : memref<8192xf32, #tpu.memory_space<vmem>>, vector<16xf32>,
        %mul3A_440 = arith.mulf %gather3A_93, %get3A_439 : vector<16xf32>
        %add3A_441 = arith.addf %mul3A_437, %mul3A_440 : vector<16xf32>
        %get3A_442 = arith.index_cast %while3A_431 : i32 to index
        %get3A_443 = tpu.vector_load %arg13[%get3A_442] {strides = array<i32>} : memref<8192xf32, #tpu.memory_space<vmem>>, vector<16xf32>,
        %mul3A_444 = arith.mulf %gather3A_94, %get3A_443 : vector<16xf32>
        %add3A_445 = arith.addf %add3A_441, %mul3A_444 : vector<16xf32>
        %get3A_446 = arith.index_cast %while3A_431 : i32 to index
        %get3A_447 = tpu.vector_load %arg14[%get3A_446] {strides = array<i32>} : memref<8192xf32, #tpu.memory_space<vmem>>, vector<16xf32>,
        %add3A_448 = arith.addf %gather3A_95, %get3A_447 : vector<16xf32>
        %mul3A_449 = arith.constant 2.000000e+00 : f32
        %mul3A_450 = vector.broadcast %mul3A_449 : f32 to vector<16xf32>
        %mul3A_451 = arith.mulf %mul3A_450, %add3A_445 : vector<16xf32>
        %sub3A_452 = arith.subf %add3A_448, %mul3A_451 : vector<16xf32>
        %get3A_453 = arith.index_cast %add3A_434 : i32 to index
        %get3A_454 = tpu.vector_load %arg11[%get3A_453] {strides = array<i32>} : memref<8192xf32, #tpu.memory_space<vmem>>, vector<16xf32>,
        %mul3A_455 = arith.mulf %gather3A_92, %get3A_454 : vector<16xf32>
        %get3A_456 = arith.index_cast %add3A_434 : i32 to index
        %get3A_457 = tpu.vector_load %arg12[%get3A_456] {strides = array<i32>} : memref<8192xf32, #tpu.memory_space<vmem>>, vector<16xf32>,
        %mul3A_458 = arith.mulf %gather3A_93, %get3A_457 : vector<16xf32>
        %add3A_459 = arith.addf %mul3A_455, %mul3A_458 : vector<16xf32>
        %get3A_460 = arith.index_cast %add3A_434 : i32 to index
        %get3A_461 = tpu.vector_load %arg13[%get3A_460] {strides = array<i32>} : memref<8192xf32, #tpu.memory_space<vmem>>, vector<16xf32>,
        %mul3A_462 = arith.mulf %gather3A_94, %get3A_461 : vector<16xf32>
        %add3A_463 = arith.addf %add3A_459, %mul3A_462 : vector<16xf32>
        %get3A_464 = arith.index_cast %add3A_434 : i32 to index
        %get3A_465 = tpu.vector_load %arg14[%get3A_464] {strides = array<i32>} : memref<8192xf32, #tpu.memory_space<vmem>>, vector<16xf32>,
        %add3A_466 = arith.addf %gather3A_95, %get3A_465 : vector<16xf32>
        %mul3A_467 = arith.constant 2.000000e+00 : f32
        %mul3A_468 = vector.broadcast %mul3A_467 : f32 to vector<16xf32>
        %mul3A_469 = arith.mulf %mul3A_468, %add3A_463 : vector<16xf32>
        %sub3A_470 = arith.subf %add3A_466, %mul3A_469 : vector<16xf32>
        %lt3A_471 = arith.constant 1.000000e+00 : f32
        %lt3A_472 = vector.broadcast %lt3A_471 : f32 to vector<16xf32>
        %lt3A_473 = arith.cmpf olt, %sub3A_452, %lt3A_472 : vector<16xf32>
        %lt3A_474 = arith.constant 1.000000e+00 : f32
        %lt3A_475 = vector.broadcast %lt3A_474 : f32 to vector<16xf32>
        %lt3A_476 = arith.cmpf olt, %sub3A_470, %lt3A_475 : vector<16xf32>
        %add3A_477 = arith.addi %mul3A_20, %while3A_431 : i32
        %add3A_478 = vector.broadcast %add3A_477 : i32 to vector<16xi32>
        %add3A_479 = arith.addi %add3A_478, %iota3A : vector<16xi32>
        %swap3A_480 = arith.index_cast %while3A_432 : i32 to index
        %swap3A_481 = tpu.vector_load %arg20[%swap3A_480] masked %lt3A_473 {strides = array<i32>} : memref<64xi32, #tpu.memory_space<vmem>>, vector<16xi32>, vector<16xi1>
        tpu.vector_store %arg20[%swap3A_480], %add3A_479 masked %lt3A_473 {strides = array<i32>} : memref<64xi32, #tpu.memory_space<vmem>>, vector<16xi32>, vector<16xi1>
        %all_reduce_population_count3A = tpu.all_reduce %lt3A_473 {dim = 0 : i64, kind = #tpu.reduction_kind<sum>} : vector<16xi1> -> vector<16xi32>
        %slice3A = vector.extract_strided_slice %all_reduce_population_count3A {offsets = [0], sizes = [1], strides = [1]} : vector<16xi32> to vector<1xi32>
        %squeeze3A = vector.extract %slice3A[0] : i32 from vector<1xi32>
        %add3A_482 = arith.addi %while3A_432, %squeeze3A : i32
        %add3A_483 = arith.constant 16 : i32
        %add3A_484 = vector.broadcast %add3A_483 : i32 to vector<16xi32>
        %add3A_485 = arith.addi %add3A_479, %add3A_484 : vector<16xi32>
        %swap3A_486 = arith.index_cast %add3A_482 : i32 to index
        %swap3A_487 = tpu.vector_load %arg20[%swap3A_486] masked %lt3A_476 {strides = array<i32>} : memref<64xi32, #tpu.memory_space<vmem>>, vector<16xi32>, vector<16xi1>
        tpu.vector_store %arg20[%swap3A_486], %add3A_485 masked %lt3A_476 {strides = array<i32>} : memref<64xi32, #tpu.memory_space<vmem>>, vector<16xi32>, vector<16xi1>
        %all_reduce_population_count3A_488 = tpu.all_reduce %lt3A_476 {dim = 0 : i64, kind = #tpu.reduction_kind<sum>} : vector<16xi1> -> vector<16xi32>
        %slice3A_489 = vector.extract_strided_slice %all_reduce_population_count3A_488 {offsets = [0], sizes = [1], strides = [1]} : vector<16xi32> to vector<1xi32>
        %squeeze3A_490 = vector.extract %slice3A_489[0] : i32 from vector<1xi32>
        %add3A_491 = arith.constant 32 : i32
        %add3A_492 = arith.addi %while3A_431, %add3A_491 : i32
        %add3A_493 = arith.addi %add3A_482, %squeeze3A_490 : i32
        scf.yield %add3A_492, %add3A_493 : i32, i32
      }
      %get3A_99 = arith.constant 0 : index
      %get3A_100 = tpu.vector_load %arg20[%get3A_99] {strides = array<i32>} : memref<64xi32, #tpu.memory_space<vmem>>, vector<16xi32>,
      %jit3A_101 = arith.constant 0 : i32
      %broadcast_in_dim3A_102 = vector.broadcast %jit3A_101 : i32 to vector<16xi32>
      %select_n3A_103 = arith.select %eq3A_36, %get3A_100, %broadcast_in_dim3A_102 : vector<16xi1>, vector<16xi32>
      %reduce_sum3A_104 = arith.constant true
      %reduce_sum3A_105 = vector.broadcast %reduce_sum3A_104 : i1 to vector<16xi1>
      %reduce_sum3A_106 = tpu.scan <sum>, %select_n3A_103 masked %reduce_sum3A_105 : vector<16xi32>, vector<16xi1> -> vector<16xi32>
      %reduce_sum3A_107 = vector.extract %reduce_sum3A_106[15] : i32 from vector<16xi32>
      %gt3A_108 = arith.constant 0 : i32
      %gt3A_109 = arith.cmpi sgt, %while3A_98#1, %gt3A_108 : i32
      %jit3A_110 = arith.constant 0 : i32
      %select_n3A_111 = arith.select %gt3A_109, %reduce_sum3A_107, %jit3A_110 : i32
      %broadcast_in_dim3A_112 = vector.broadcast %select_n3A_111 : i32 to vector<16xi32>
      %get3A_113 = arith.constant 0 : index
      %get3A_114 = tpu.vector_load %arg20[%get3A_113] {strides = array<i32>} : memref<64xi32, #tpu.memory_space<vmem>>, vector<16xi32>,
      %add3A_115 = arith.constant 0 : i32
      %add3A_116 = vector.broadcast %add3A_115 : i32 to vector<16xi32>
      %add3A_117 = arith.addi %iota3A, %add3A_116 : vector<16xi32>
      %lt3A_118 = vector.broadcast %while3A_98#1 : i32 to vector<16xi32>
      %lt3A_119 = arith.cmpi slt, %add3A_117, %lt3A_118 : vector<16xi32>
      %select_n3A_120 = arith.select %lt3A_119, %get3A_114, %broadcast_in_dim3A_112 : vector<16xi1>, vector<16xi32>
      %swap3A_121 = arith.constant 0 : index
      %swap3A_122 = tpu.vector_load %arg20[%swap3A_121] {strides = array<i32>} : memref<64xi32, #tpu.memory_space<vmem>>, vector<16xi32>,
      tpu.vector_store %arg20[%swap3A_121], %select_n3A_120 {strides = array<i32>} : memref<64xi32, #tpu.memory_space<vmem>>, vector<16xi32>,
      %get3A_123 = arith.constant 16 : index
      %get3A_124 = tpu.vector_load %arg20[%get3A_123] {strides = array<i32>} : memref<64xi32, #tpu.memory_space<vmem>>, vector<16xi32>,
      %add3A_125 = arith.constant 16 : i32
      %add3A_126 = vector.broadcast %add3A_125 : i32 to vector<16xi32>
      %add3A_127 = arith.addi %iota3A, %add3A_126 : vector<16xi32>
      %lt3A_128 = vector.broadcast %while3A_98#1 : i32 to vector<16xi32>
      %lt3A_129 = arith.cmpi slt, %add3A_127, %lt3A_128 : vector<16xi32>
      %select_n3A_130 = arith.select %lt3A_129, %get3A_124, %broadcast_in_dim3A_112 : vector<16xi1>, vector<16xi32>
      %swap3A_131 = arith.constant 16 : index
      %swap3A_132 = tpu.vector_load %arg20[%swap3A_131] {strides = array<i32>} : memref<64xi32, #tpu.memory_space<vmem>>, vector<16xi32>,
      tpu.vector_store %arg20[%swap3A_131], %select_n3A_130 {strides = array<i32>} : memref<64xi32, #tpu.memory_space<vmem>>, vector<16xi32>,
      %dma_start3A_133 = arith.constant 0 : i32
      %dma_start3A_134 = tpu.memref_slice %arg20[%dma_start3A_133] : memref<64xi32, #tpu.memory_space<vmem>> -> memref<32xi32, #tpu.memory_space<vmem>>
      %dma_start3A_135 = arith.constant 0 : i32
      %dma_start3A_136 = arith.constant 0 : i32
      %dma_start3A_137 = tpu.memref_slice %arg8[%dma_start3A_135, %dma_start3A_136] : memref<32768x128xf32, #tpu.memory_space<hbm>> -> memref<32768x128xf32, #tpu.memory_space<hbm>>
      tpu.enqueue_indirect_dma source(%dma_start3A_137 : memref<32768x128xf32, #tpu.memory_space<hbm>>) target(%arg24 : memref<32x128xf32, #tpu.memory_space<vmem>>) offsets(%dma_start3A_134 : memref<32xi32, #tpu.memory_space<vmem>>) semaphore(%arg30 : memref<!tpu.dma_semaphore, #tpu.memory_space<semaphore_mem>>)
      %add3A_138 = arith.constant 2 : i32
      %add3A_139 = arith.addi %mul3A_47, %add3A_138 : i32
      %broadcast_in_dim3A_140 = vector.broadcast %add3A_139 : i32 to vector<16xi32>
      %gather3A_141 = tpu.vector_load_idx %arg15[%broadcast_in_dim3A_140] : memref<256xf32, #tpu.memory_space<vmem>>[vector<16xi32>], vector<16xf32>,
      %gather3A_142 = tpu.vector_load_idx %arg16[%broadcast_in_dim3A_140] : memref<256xf32, #tpu.memory_space<vmem>>[vector<16xi32>], vector<16xf32>,
      %gather3A_143 = tpu.vector_load_idx %arg17[%broadcast_in_dim3A_140] : memref<256xf32, #tpu.memory_space<vmem>>[vector<16xi32>], vector<16xf32>,
      %gather3A_144 = tpu.vector_load_idx %arg18[%broadcast_in_dim3A_140] : memref<256xf32, #tpu.memory_space<vmem>>[vector<16xi32>], vector<16xf32>,
      %while3A_145 = arith.constant 0 : i32
      %while3A_146 = arith.constant 0 : i32
      %while3A_147:2 = scf.while (%while3A_431 = %while3A_145, %while3A_432 = %while3A_146) : (i32, i32) -> (i32, i32) {
        %lt3A_433 = arith.constant 8192 : i32
        %lt3A_434 = arith.cmpi slt, %while3A_431, %lt3A_433 : i32
        %lt3A_435 = arith.constant 32 : i32
        %lt3A_436 = arith.cmpi slt, %while3A_432, %lt3A_435 : i32
        %and3A_437 = arith.andi %lt3A_434, %lt3A_436 : i1
        scf.condition(%and3A_437) %while3A_431, %while3A_432 : i32, i32
      } do {
      ^bb0(%while3A_431: i32, %while3A_432: i32):
        %add3A_433 = arith.constant 16 : i32
        %add3A_434 = arith.addi %while3A_431, %add3A_433 : i32
        %get3A_435 = arith.index_cast %while3A_431 : i32 to index
        %get3A_436 = tpu.vector_load %arg11[%get3A_435] {strides = array<i32>} : memref<8192xf32, #tpu.memory_space<vmem>>, vector<16xf32>,
        %mul3A_437 = arith.mulf %gather3A_141, %get3A_436 : vector<16xf32>
        %get3A_438 = arith.index_cast %while3A_431 : i32 to index
        %get3A_439 = tpu.vector_load %arg12[%get3A_438] {strides = array<i32>} : memref<8192xf32, #tpu.memory_space<vmem>>, vector<16xf32>,
        %mul3A_440 = arith.mulf %gather3A_142, %get3A_439 : vector<16xf32>
        %add3A_441 = arith.addf %mul3A_437, %mul3A_440 : vector<16xf32>
        %get3A_442 = arith.index_cast %while3A_431 : i32 to index
        %get3A_443 = tpu.vector_load %arg13[%get3A_442] {strides = array<i32>} : memref<8192xf32, #tpu.memory_space<vmem>>, vector<16xf32>,
        %mul3A_444 = arith.mulf %gather3A_143, %get3A_443 : vector<16xf32>
        %add3A_445 = arith.addf %add3A_441, %mul3A_444 : vector<16xf32>
        %get3A_446 = arith.index_cast %while3A_431 : i32 to index
        %get3A_447 = tpu.vector_load %arg14[%get3A_446] {strides = array<i32>} : memref<8192xf32, #tpu.memory_space<vmem>>, vector<16xf32>,
        %add3A_448 = arith.addf %gather3A_144, %get3A_447 : vector<16xf32>
        %mul3A_449 = arith.constant 2.000000e+00 : f32
        %mul3A_450 = vector.broadcast %mul3A_449 : f32 to vector<16xf32>
        %mul3A_451 = arith.mulf %mul3A_450, %add3A_445 : vector<16xf32>
        %sub3A_452 = arith.subf %add3A_448, %mul3A_451 : vector<16xf32>
        %get3A_453 = arith.index_cast %add3A_434 : i32 to index
        %get3A_454 = tpu.vector_load %arg11[%get3A_453] {strides = array<i32>} : memref<8192xf32, #tpu.memory_space<vmem>>, vector<16xf32>,
        %mul3A_455 = arith.mulf %gather3A_141, %get3A_454 : vector<16xf32>
        %get3A_456 = arith.index_cast %add3A_434 : i32 to index
        %get3A_457 = tpu.vector_load %arg12[%get3A_456] {strides = array<i32>} : memref<8192xf32, #tpu.memory_space<vmem>>, vector<16xf32>,
        %mul3A_458 = arith.mulf %gather3A_142, %get3A_457 : vector<16xf32>
        %add3A_459 = arith.addf %mul3A_455, %mul3A_458 : vector<16xf32>
        %get3A_460 = arith.index_cast %add3A_434 : i32 to index
        %get3A_461 = tpu.vector_load %arg13[%get3A_460] {strides = array<i32>} : memref<8192xf32, #tpu.memory_space<vmem>>, vector<16xf32>,
        %mul3A_462 = arith.mulf %gather3A_143, %get3A_461 : vector<16xf32>
        %add3A_463 = arith.addf %add3A_459, %mul3A_462 : vector<16xf32>
        %get3A_464 = arith.index_cast %add3A_434 : i32 to index
        %get3A_465 = tpu.vector_load %arg14[%get3A_464] {strides = array<i32>} : memref<8192xf32, #tpu.memory_space<vmem>>, vector<16xf32>,
        %add3A_466 = arith.addf %gather3A_144, %get3A_465 : vector<16xf32>
        %mul3A_467 = arith.constant 2.000000e+00 : f32
        %mul3A_468 = vector.broadcast %mul3A_467 : f32 to vector<16xf32>
        %mul3A_469 = arith.mulf %mul3A_468, %add3A_463 : vector<16xf32>
        %sub3A_470 = arith.subf %add3A_466, %mul3A_469 : vector<16xf32>
        %lt3A_471 = arith.constant 1.000000e+00 : f32
        %lt3A_472 = vector.broadcast %lt3A_471 : f32 to vector<16xf32>
        %lt3A_473 = arith.cmpf olt, %sub3A_452, %lt3A_472 : vector<16xf32>
        %lt3A_474 = arith.constant 1.000000e+00 : f32
        %lt3A_475 = vector.broadcast %lt3A_474 : f32 to vector<16xf32>
        %lt3A_476 = arith.cmpf olt, %sub3A_470, %lt3A_475 : vector<16xf32>
        %add3A_477 = arith.addi %mul3A_20, %while3A_431 : i32
        %add3A_478 = vector.broadcast %add3A_477 : i32 to vector<16xi32>
        %add3A_479 = arith.addi %add3A_478, %iota3A : vector<16xi32>
        %swap3A_480 = arith.index_cast %while3A_432 : i32 to index
        %swap3A_481 = tpu.vector_load %arg21[%swap3A_480] masked %lt3A_473 {strides = array<i32>} : memref<64xi32, #tpu.memory_space<vmem>>, vector<16xi32>, vector<16xi1>
        tpu.vector_store %arg21[%swap3A_480], %add3A_479 masked %lt3A_473 {strides = array<i32>} : memref<64xi32, #tpu.memory_space<vmem>>, vector<16xi32>, vector<16xi1>
        %all_reduce_population_count3A = tpu.all_reduce %lt3A_473 {dim = 0 : i64, kind = #tpu.reduction_kind<sum>} : vector<16xi1> -> vector<16xi32>
        %slice3A = vector.extract_strided_slice %all_reduce_population_count3A {offsets = [0], sizes = [1], strides = [1]} : vector<16xi32> to vector<1xi32>
        %squeeze3A = vector.extract %slice3A[0] : i32 from vector<1xi32>
        %add3A_482 = arith.addi %while3A_432, %squeeze3A : i32
        %add3A_483 = arith.constant 16 : i32
        %add3A_484 = vector.broadcast %add3A_483 : i32 to vector<16xi32>
        %add3A_485 = arith.addi %add3A_479, %add3A_484 : vector<16xi32>
        %swap3A_486 = arith.index_cast %add3A_482 : i32 to index
        %swap3A_487 = tpu.vector_load %arg21[%swap3A_486] masked %lt3A_476 {strides = array<i32>} : memref<64xi32, #tpu.memory_space<vmem>>, vector<16xi32>, vector<16xi1>
        tpu.vector_store %arg21[%swap3A_486], %add3A_485 masked %lt3A_476 {strides = array<i32>} : memref<64xi32, #tpu.memory_space<vmem>>, vector<16xi32>, vector<16xi1>
        %all_reduce_population_count3A_488 = tpu.all_reduce %lt3A_476 {dim = 0 : i64, kind = #tpu.reduction_kind<sum>} : vector<16xi1> -> vector<16xi32>
        %slice3A_489 = vector.extract_strided_slice %all_reduce_population_count3A_488 {offsets = [0], sizes = [1], strides = [1]} : vector<16xi32> to vector<1xi32>
        %squeeze3A_490 = vector.extract %slice3A_489[0] : i32 from vector<1xi32>
        %add3A_491 = arith.constant 32 : i32
        %add3A_492 = arith.addi %while3A_431, %add3A_491 : i32
        %add3A_493 = arith.addi %add3A_482, %squeeze3A_490 : i32
        scf.yield %add3A_492, %add3A_493 : i32, i32
      }
      %get3A_148 = arith.constant 0 : index
      %get3A_149 = tpu.vector_load %arg21[%get3A_148] {strides = array<i32>} : memref<64xi32, #tpu.memory_space<vmem>>, vector<16xi32>,
      %jit3A_150 = arith.constant 0 : i32
      %broadcast_in_dim3A_151 = vector.broadcast %jit3A_150 : i32 to vector<16xi32>
      %select_n3A_152 = arith.select %eq3A_36, %get3A_149, %broadcast_in_dim3A_151 : vector<16xi1>, vector<16xi32>
      %reduce_sum3A_153 = arith.constant true
      %reduce_sum3A_154 = vector.broadcast %reduce_sum3A_153 : i1 to vector<16xi1>
      %reduce_sum3A_155 = tpu.scan <sum>, %select_n3A_152 masked %reduce_sum3A_154 : vector<16xi32>, vector<16xi1> -> vector<16xi32>
      %reduce_sum3A_156 = vector.extract %reduce_sum3A_155[15] : i32 from vector<16xi32>
      %gt3A_157 = arith.constant 0 : i32
      %gt3A_158 = arith.cmpi sgt, %while3A_147#1, %gt3A_157 : i32
      %jit3A_159 = arith.constant 0 : i32
      %select_n3A_160 = arith.select %gt3A_158, %reduce_sum3A_156, %jit3A_159 : i32
      %broadcast_in_dim3A_161 = vector.broadcast %select_n3A_160 : i32 to vector<16xi32>
      %get3A_162 = arith.constant 0 : index
      %get3A_163 = tpu.vector_load %arg21[%get3A_162] {strides = array<i32>} : memref<64xi32, #tpu.memory_space<vmem>>, vector<16xi32>,
      %add3A_164 = arith.constant 0 : i32
      %add3A_165 = vector.broadcast %add3A_164 : i32 to vector<16xi32>
      %add3A_166 = arith.addi %iota3A, %add3A_165 : vector<16xi32>
      %lt3A_167 = vector.broadcast %while3A_147#1 : i32 to vector<16xi32>
      %lt3A_168 = arith.cmpi slt, %add3A_166, %lt3A_167 : vector<16xi32>
      %select_n3A_169 = arith.select %lt3A_168, %get3A_163, %broadcast_in_dim3A_161 : vector<16xi1>, vector<16xi32>
      %swap3A_170 = arith.constant 0 : index
      %swap3A_171 = tpu.vector_load %arg21[%swap3A_170] {strides = array<i32>} : memref<64xi32, #tpu.memory_space<vmem>>, vector<16xi32>,
      tpu.vector_store %arg21[%swap3A_170], %select_n3A_169 {strides = array<i32>} : memref<64xi32, #tpu.memory_space<vmem>>, vector<16xi32>,
      %get3A_172 = arith.constant 16 : index
      %get3A_173 = tpu.vector_load %arg21[%get3A_172] {strides = array<i32>} : memref<64xi32, #tpu.memory_space<vmem>>, vector<16xi32>,
      %add3A_174 = arith.constant 16 : i32
      %add3A_175 = vector.broadcast %add3A_174 : i32 to vector<16xi32>
      %add3A_176 = arith.addi %iota3A, %add3A_175 : vector<16xi32>
      %lt3A_177 = vector.broadcast %while3A_147#1 : i32 to vector<16xi32>
      %lt3A_178 = arith.cmpi slt, %add3A_176, %lt3A_177 : vector<16xi32>
      %select_n3A_179 = arith.select %lt3A_178, %get3A_173, %broadcast_in_dim3A_161 : vector<16xi1>, vector<16xi32>
      %swap3A_180 = arith.constant 16 : index
      %swap3A_181 = tpu.vector_load %arg21[%swap3A_180] {strides = array<i32>} : memref<64xi32, #tpu.memory_space<vmem>>, vector<16xi32>,
      tpu.vector_store %arg21[%swap3A_180], %select_n3A_179 {strides = array<i32>} : memref<64xi32, #tpu.memory_space<vmem>>, vector<16xi32>,
      %dma_start3A_182 = arith.constant 0 : i32
      %dma_start3A_183 = tpu.memref_slice %arg21[%dma_start3A_182] : memref<64xi32, #tpu.memory_space<vmem>> -> memref<32xi32, #tpu.memory_space<vmem>>
      %dma_start3A_184 = arith.constant 0 : i32
      %dma_start3A_185 = arith.constant 0 : i32
      %dma_start3A_186 = tpu.memref_slice %arg8[%dma_start3A_184, %dma_start3A_185] : memref<32768x128xf32, #tpu.memory_space<hbm>> -> memref<32768x128xf32, #tpu.memory_space<hbm>>
      tpu.enqueue_indirect_dma source(%dma_start3A_186 : memref<32768x128xf32, #tpu.memory_space<hbm>>) target(%arg25 : memref<32x128xf32, #tpu.memory_space<vmem>>) offsets(%dma_start3A_183 : memref<32xi32, #tpu.memory_space<vmem>>) semaphore(%arg31 : memref<!tpu.dma_semaphore, #tpu.memory_space<semaphore_mem>>)
      %add3A_187 = arith.constant 3 : i32
      %add3A_188 = arith.addi %mul3A_47, %add3A_187 : i32
      %broadcast_in_dim3A_189 = vector.broadcast %add3A_188 : i32 to vector<16xi32>
      %gather3A_190 = tpu.vector_load_idx %arg15[%broadcast_in_dim3A_189] : memref<256xf32, #tpu.memory_space<vmem>>[vector<16xi32>], vector<16xf32>,
      %gather3A_191 = tpu.vector_load_idx %arg16[%broadcast_in_dim3A_189] : memref<256xf32, #tpu.memory_space<vmem>>[vector<16xi32>], vector<16xf32>,
      %gather3A_192 = tpu.vector_load_idx %arg17[%broadcast_in_dim3A_189] : memref<256xf32, #tpu.memory_space<vmem>>[vector<16xi32>], vector<16xf32>,
      %gather3A_193 = tpu.vector_load_idx %arg18[%broadcast_in_dim3A_189] : memref<256xf32, #tpu.memory_space<vmem>>[vector<16xi32>], vector<16xf32>,
      %while3A_194 = arith.constant 0 : i32
      %while3A_195 = arith.constant 0 : i32
      %while3A_196:2 = scf.while (%while3A_431 = %while3A_194, %while3A_432 = %while3A_195) : (i32, i32) -> (i32, i32) {
        %lt3A_433 = arith.constant 8192 : i32
        %lt3A_434 = arith.cmpi slt, %while3A_431, %lt3A_433 : i32
        %lt3A_435 = arith.constant 32 : i32
        %lt3A_436 = arith.cmpi slt, %while3A_432, %lt3A_435 : i32
        %and3A_437 = arith.andi %lt3A_434, %lt3A_436 : i1
        scf.condition(%and3A_437) %while3A_431, %while3A_432 : i32, i32
      } do {
      ^bb0(%while3A_431: i32, %while3A_432: i32):
        %add3A_433 = arith.constant 16 : i32
        %add3A_434 = arith.addi %while3A_431, %add3A_433 : i32
        %get3A_435 = arith.index_cast %while3A_431 : i32 to index
        %get3A_436 = tpu.vector_load %arg11[%get3A_435] {strides = array<i32>} : memref<8192xf32, #tpu.memory_space<vmem>>, vector<16xf32>,
        %mul3A_437 = arith.mulf %gather3A_190, %get3A_436 : vector<16xf32>
        %get3A_438 = arith.index_cast %while3A_431 : i32 to index
        %get3A_439 = tpu.vector_load %arg12[%get3A_438] {strides = array<i32>} : memref<8192xf32, #tpu.memory_space<vmem>>, vector<16xf32>,
        %mul3A_440 = arith.mulf %gather3A_191, %get3A_439 : vector<16xf32>
        %add3A_441 = arith.addf %mul3A_437, %mul3A_440 : vector<16xf32>
        %get3A_442 = arith.index_cast %while3A_431 : i32 to index
        %get3A_443 = tpu.vector_load %arg13[%get3A_442] {strides = array<i32>} : memref<8192xf32, #tpu.memory_space<vmem>>, vector<16xf32>,
        %mul3A_444 = arith.mulf %gather3A_192, %get3A_443 : vector<16xf32>
        %add3A_445 = arith.addf %add3A_441, %mul3A_444 : vector<16xf32>
        %get3A_446 = arith.index_cast %while3A_431 : i32 to index
        %get3A_447 = tpu.vector_load %arg14[%get3A_446] {strides = array<i32>} : memref<8192xf32, #tpu.memory_space<vmem>>, vector<16xf32>,
        %add3A_448 = arith.addf %gather3A_193, %get3A_447 : vector<16xf32>
        %mul3A_449 = arith.constant 2.000000e+00 : f32
        %mul3A_450 = vector.broadcast %mul3A_449 : f32 to vector<16xf32>
        %mul3A_451 = arith.mulf %mul3A_450, %add3A_445 : vector<16xf32>
        %sub3A_452 = arith.subf %add3A_448, %mul3A_451 : vector<16xf32>
        %get3A_453 = arith.index_cast %add3A_434 : i32 to index
        %get3A_454 = tpu.vector_load %arg11[%get3A_453] {strides = array<i32>} : memref<8192xf32, #tpu.memory_space<vmem>>, vector<16xf32>,
        %mul3A_455 = arith.mulf %gather3A_190, %get3A_454 : vector<16xf32>
        %get3A_456 = arith.index_cast %add3A_434 : i32 to index
        %get3A_457 = tpu.vector_load %arg12[%get3A_456] {strides = array<i32>} : memref<8192xf32, #tpu.memory_space<vmem>>, vector<16xf32>,
        %mul3A_458 = arith.mulf %gather3A_191, %get3A_457 : vector<16xf32>
        %add3A_459 = arith.addf %mul3A_455, %mul3A_458 : vector<16xf32>
        %get3A_460 = arith.index_cast %add3A_434 : i32 to index
        %get3A_461 = tpu.vector_load %arg13[%get3A_460] {strides = array<i32>} : memref<8192xf32, #tpu.memory_space<vmem>>, vector<16xf32>,
        %mul3A_462 = arith.mulf %gather3A_192, %get3A_461 : vector<16xf32>
        %add3A_463 = arith.addf %add3A_459, %mul3A_462 : vector<16xf32>
        %get3A_464 = arith.index_cast %add3A_434 : i32 to index
        %get3A_465 = tpu.vector_load %arg14[%get3A_464] {strides = array<i32>} : memref<8192xf32, #tpu.memory_space<vmem>>, vector<16xf32>,
        %add3A_466 = arith.addf %gather3A_193, %get3A_465 : vector<16xf32>
        %mul3A_467 = arith.constant 2.000000e+00 : f32
        %mul3A_468 = vector.broadcast %mul3A_467 : f32 to vector<16xf32>
        %mul3A_469 = arith.mulf %mul3A_468, %add3A_463 : vector<16xf32>
        %sub3A_470 = arith.subf %add3A_466, %mul3A_469 : vector<16xf32>
        %lt3A_471 = arith.constant 1.000000e+00 : f32
        %lt3A_472 = vector.broadcast %lt3A_471 : f32 to vector<16xf32>
        %lt3A_473 = arith.cmpf olt, %sub3A_452, %lt3A_472 : vector<16xf32>
        %lt3A_474 = arith.constant 1.000000e+00 : f32
        %lt3A_475 = vector.broadcast %lt3A_474 : f32 to vector<16xf32>
        %lt3A_476 = arith.cmpf olt, %sub3A_470, %lt3A_475 : vector<16xf32>
        %add3A_477 = arith.addi %mul3A_20, %while3A_431 : i32
        %add3A_478 = vector.broadcast %add3A_477 : i32 to vector<16xi32>
        %add3A_479 = arith.addi %add3A_478, %iota3A : vector<16xi32>
        %swap3A_480 = arith.index_cast %while3A_432 : i32 to index
        %swap3A_481 = tpu.vector_load %arg22[%swap3A_480] masked %lt3A_473 {strides = array<i32>} : memref<64xi32, #tpu.memory_space<vmem>>, vector<16xi32>, vector<16xi1>
        tpu.vector_store %arg22[%swap3A_480], %add3A_479 masked %lt3A_473 {strides = array<i32>} : memref<64xi32, #tpu.memory_space<vmem>>, vector<16xi32>, vector<16xi1>
        %all_reduce_population_count3A = tpu.all_reduce %lt3A_473 {dim = 0 : i64, kind = #tpu.reduction_kind<sum>} : vector<16xi1> -> vector<16xi32>
        %slice3A = vector.extract_strided_slice %all_reduce_population_count3A {offsets = [0], sizes = [1], strides = [1]} : vector<16xi32> to vector<1xi32>
        %squeeze3A = vector.extract %slice3A[0] : i32 from vector<1xi32>
        %add3A_482 = arith.addi %while3A_432, %squeeze3A : i32
        %add3A_483 = arith.constant 16 : i32
        %add3A_484 = vector.broadcast %add3A_483 : i32 to vector<16xi32>
        %add3A_485 = arith.addi %add3A_479, %add3A_484 : vector<16xi32>
        %swap3A_486 = arith.index_cast %add3A_482 : i32 to index
        %swap3A_487 = tpu.vector_load %arg22[%swap3A_486] masked %lt3A_476 {strides = array<i32>} : memref<64xi32, #tpu.memory_space<vmem>>, vector<16xi32>, vector<16xi1>
        tpu.vector_store %arg22[%swap3A_486], %add3A_485 masked %lt3A_476 {strides = array<i32>} : memref<64xi32, #tpu.memory_space<vmem>>, vector<16xi32>, vector<16xi1>
        %all_reduce_population_count3A_488 = tpu.all_reduce %lt3A_476 {dim = 0 : i64, kind = #tpu.reduction_kind<sum>} : vector<16xi1> -> vector<16xi32>
        %slice3A_489 = vector.extract_strided_slice %all_reduce_population_count3A_488 {offsets = [0], sizes = [1], strides = [1]} : vector<16xi32> to vector<1xi32>
        %squeeze3A_490 = vector.extract %slice3A_489[0] : i32 from vector<1xi32>
        %add3A_491 = arith.constant 32 : i32
        %add3A_492 = arith.addi %while3A_431, %add3A_491 : i32
        %add3A_493 = arith.addi %add3A_482, %squeeze3A_490 : i32
        scf.yield %add3A_492, %add3A_493 : i32, i32
      }
      %get3A_197 = arith.constant 0 : index
      %get3A_198 = tpu.vector_load %arg22[%get3A_197] {strides = array<i32>} : memref<64xi32, #tpu.memory_space<vmem>>, vector<16xi32>,
      %jit3A_199 = arith.constant 0 : i32
      %broadcast_in_dim3A_200 = vector.broadcast %jit3A_199 : i32 to vector<16xi32>
      %select_n3A_201 = arith.select %eq3A_36, %get3A_198, %broadcast_in_dim3A_200 : vector<16xi1>, vector<16xi32>
      %reduce_sum3A_202 = arith.constant true
      %reduce_sum3A_203 = vector.broadcast %reduce_sum3A_202 : i1 to vector<16xi1>
      %reduce_sum3A_204 = tpu.scan <sum>, %select_n3A_201 masked %reduce_sum3A_203 : vector<16xi32>, vector<16xi1> -> vector<16xi32>
      %reduce_sum3A_205 = vector.extract %reduce_sum3A_204[15] : i32 from vector<16xi32>
      %gt3A_206 = arith.constant 0 : i32
      %gt3A_207 = arith.cmpi sgt, %while3A_196#1, %gt3A_206 : i32
      %jit3A_208 = arith.constant 0 : i32
      %select_n3A_209 = arith.select %gt3A_207, %reduce_sum3A_205, %jit3A_208 : i32
      %broadcast_in_dim3A_210 = vector.broadcast %select_n3A_209 : i32 to vector<16xi32>
      %get3A_211 = arith.constant 0 : index
      %get3A_212 = tpu.vector_load %arg22[%get3A_211] {strides = array<i32>} : memref<64xi32, #tpu.memory_space<vmem>>, vector<16xi32>,
      %add3A_213 = arith.constant 0 : i32
      %add3A_214 = vector.broadcast %add3A_213 : i32 to vector<16xi32>
      %add3A_215 = arith.addi %iota3A, %add3A_214 : vector<16xi32>
      %lt3A_216 = vector.broadcast %while3A_196#1 : i32 to vector<16xi32>
      %lt3A_217 = arith.cmpi slt, %add3A_215, %lt3A_216 : vector<16xi32>
      %select_n3A_218 = arith.select %lt3A_217, %get3A_212, %broadcast_in_dim3A_210 : vector<16xi1>, vector<16xi32>
      %swap3A_219 = arith.constant 0 : index
      %swap3A_220 = tpu.vector_load %arg22[%swap3A_219] {strides = array<i32>} : memref<64xi32, #tpu.memory_space<vmem>>, vector<16xi32>,
      tpu.vector_store %arg22[%swap3A_219], %select_n3A_218 {strides = array<i32>} : memref<64xi32, #tpu.memory_space<vmem>>, vector<16xi32>,
      %get3A_221 = arith.constant 16 : index
      %get3A_222 = tpu.vector_load %arg22[%get3A_221] {strides = array<i32>} : memref<64xi32, #tpu.memory_space<vmem>>, vector<16xi32>,
      %add3A_223 = arith.constant 16 : i32
      %add3A_224 = vector.broadcast %add3A_223 : i32 to vector<16xi32>
      %add3A_225 = arith.addi %iota3A, %add3A_224 : vector<16xi32>
      %lt3A_226 = vector.broadcast %while3A_196#1 : i32 to vector<16xi32>
      %lt3A_227 = arith.cmpi slt, %add3A_225, %lt3A_226 : vector<16xi32>
      %select_n3A_228 = arith.select %lt3A_227, %get3A_222, %broadcast_in_dim3A_210 : vector<16xi1>, vector<16xi32>
      %swap3A_229 = arith.constant 16 : index
      %swap3A_230 = tpu.vector_load %arg22[%swap3A_229] {strides = array<i32>} : memref<64xi32, #tpu.memory_space<vmem>>, vector<16xi32>,
      tpu.vector_store %arg22[%swap3A_229], %select_n3A_228 {strides = array<i32>} : memref<64xi32, #tpu.memory_space<vmem>>, vector<16xi32>,
      %dma_start3A_231 = arith.constant 0 : i32
      %dma_start3A_232 = tpu.memref_slice %arg22[%dma_start3A_231] : memref<64xi32, #tpu.memory_space<vmem>> -> memref<32xi32, #tpu.memory_space<vmem>>
      %dma_start3A_233 = arith.constant 0 : i32
      %dma_start3A_234 = arith.constant 0 : i32
      %dma_start3A_235 = tpu.memref_slice %arg8[%dma_start3A_233, %dma_start3A_234] : memref<32768x128xf32, #tpu.memory_space<hbm>> -> memref<32768x128xf32, #tpu.memory_space<hbm>>
      tpu.enqueue_indirect_dma source(%dma_start3A_235 : memref<32768x128xf32, #tpu.memory_space<hbm>>) target(%arg26 : memref<32x128xf32, #tpu.memory_space<vmem>>) offsets(%dma_start3A_232 : memref<32xi32, #tpu.memory_space<vmem>>) semaphore(%arg32 : memref<!tpu.dma_semaphore, #tpu.memory_space<semaphore_mem>>)
      %dma_wait3A = arith.constant 0 : i32
      %dma_wait3A_236 = tpu.memref_slice %arg19[%dma_wait3A] : memref<64xi32, #tpu.memory_space<vmem>> -> memref<32xi32, #tpu.memory_space<vmem>>
      %dma_wait3A_237 = arith.constant 0 : i32
      %dma_wait3A_238 = arith.constant 0 : i32
      %dma_wait3A_239 = tpu.memref_slice %arg8[%dma_wait3A_237, %dma_wait3A_238] : memref<32768x128xf32, #tpu.memory_space<hbm>> -> memref<32768x128xf32, #tpu.memory_space<hbm>>
      tpu.wait_indirect_dma semaphore(%arg29 : memref<!tpu.dma_semaphore, #tpu.memory_space<semaphore_mem>>) src(%dma_wait3A_239 : memref<32768x128xf32, #tpu.memory_space<hbm>>) dst(%arg23 : memref<32x128xf32, #tpu.memory_space<vmem>>)
      %add3A_240 = arith.constant 0 : i32
      %add3A_241 = arith.addi %mul3A_47, %add3A_240 : i32
      %broadcast_in_dim3A_242 = arith.constant 0xFF800000 : f32
      %broadcast_in_dim3A_243 = vector.broadcast %broadcast_in_dim3A_242 : f32 to vector<16xf32>
      %broadcast_in_dim3A_244 = arith.constant 0xFF800000 : f32
      %broadcast_in_dim3A_245 = vector.broadcast %broadcast_in_dim3A_244 : f32 to vector<16xf32>
      %broadcast_in_dim3A_246 = arith.constant 0xFF800000 : f32
      %broadcast_in_dim3A_247 = vector.broadcast %broadcast_in_dim3A_246 : f32 to vector<16xf32>
      %broadcast_in_dim3A_248 = arith.constant 0xFF800000 : f32
      %broadcast_in_dim3A_249 = vector.broadcast %broadcast_in_dim3A_248 : f32 to vector<16xf32>
      %scan3A_250 = arith.constant 0 : i32
      %scan3A_251 = arith.constant 8 : i32
      %scan3A_252 = arith.addi %scan3A_250, %scan3A_251 : i32
      %scan3A_253 = arith.constant 1 : i32
      %scan3A_254:4 = scf.for %scan3A_431 = %scan3A_250 to %scan3A_252 step %scan3A_253 iter_args(%scan3A_432 = %broadcast_in_dim3A_243, %scan3A_433 = %broadcast_in_dim3A_245, %scan3A_434 = %broadcast_in_dim3A_247, %scan3A_435 = %broadcast_in_dim3A_249) -> (vector<16xf32>, vector<16xf32>, vector<16xf32>, vector<16xf32>)  : i32 {
        %mul3A_436 = arith.constant 4 : i32
        %mul3A_437 = arith.muli %scan3A_431, %mul3A_436 : i32
        %add3A_438 = arith.constant 0 : i32
        %add3A_439 = arith.addi %mul3A_437, %add3A_438 : i32
        %get3A_440 = arith.index_cast %add3A_439 : i32 to index
        %get3A_441 = arith.constant 0 : index
        %get3A_442 = tpu.vector_load %arg23[%get3A_440, %get3A_441] {strides = array<i32>} : memref<32x128xf32, #tpu.memory_space<vmem>>, vector<16xf32>,
        %max3A = arith.maximumf %scan3A_432, %get3A_442 : vector<16xf32>
        %get3A_443 = arith.index_cast %add3A_439 : i32 to index
        %get3A_444 = arith.constant 16 : index
        %get3A_445 = tpu.vector_load %arg23[%get3A_443, %get3A_444] {strides = array<i32>} : memref<32x128xf32, #tpu.memory_space<vmem>>, vector<16xf32>,
        %max3A_446 = arith.maximumf %scan3A_433, %get3A_445 : vector<16xf32>
        %get3A_447 = arith.index_cast %add3A_439 : i32 to index
        %get3A_448 = arith.constant 32 : index
        %get3A_449 = tpu.vector_load %arg23[%get3A_447, %get3A_448] {strides = array<i32>} : memref<32x128xf32, #tpu.memory_space<vmem>>, vector<16xf32>,
        %max3A_450 = arith.maximumf %scan3A_434, %get3A_449 : vector<16xf32>
        %get3A_451 = arith.index_cast %add3A_439 : i32 to index
        %get3A_452 = arith.constant 48 : index
        %get3A_453 = tpu.vector_load %arg23[%get3A_451, %get3A_452] {strides = array<i32>} : memref<32x128xf32, #tpu.memory_space<vmem>>, vector<16xf32>,
        %max3A_454 = arith.maximumf %scan3A_435, %get3A_453 : vector<16xf32>
        %mul3A_455 = arith.constant 4 : i32
        %mul3A_456 = arith.muli %scan3A_431, %mul3A_455 : i32
        %add3A_457 = arith.constant 1 : i32
        %add3A_458 = arith.addi %mul3A_456, %add3A_457 : i32
        %get3A_459 = arith.index_cast %add3A_458 : i32 to index
        %get3A_460 = arith.constant 0 : index
        %get3A_461 = tpu.vector_load %arg23[%get3A_459, %get3A_460] {strides = array<i32>} : memref<32x128xf32, #tpu.memory_space<vmem>>, vector<16xf32>,
        %max3A_462 = arith.maximumf %max3A, %get3A_461 : vector<16xf32>
        %get3A_463 = arith.index_cast %add3A_458 : i32 to index
        %get3A_464 = arith.constant 16 : index
        %get3A_465 = tpu.vector_load %arg23[%get3A_463, %get3A_464] {strides = array<i32>} : memref<32x128xf32, #tpu.memory_space<vmem>>, vector<16xf32>,
        %max3A_466 = arith.maximumf %max3A_446, %get3A_465 : vector<16xf32>
        %get3A_467 = arith.index_cast %add3A_458 : i32 to index
        %get3A_468 = arith.constant 32 : index
        %get3A_469 = tpu.vector_load %arg23[%get3A_467, %get3A_468] {strides = array<i32>} : memref<32x128xf32, #tpu.memory_space<vmem>>, vector<16xf32>,
        %max3A_470 = arith.maximumf %max3A_450, %get3A_469 : vector<16xf32>
        %get3A_471 = arith.index_cast %add3A_458 : i32 to index
        %get3A_472 = arith.constant 48 : index
        %get3A_473 = tpu.vector_load %arg23[%get3A_471, %get3A_472] {strides = array<i32>} : memref<32x128xf32, #tpu.memory_space<vmem>>, vector<16xf32>,
        %max3A_474 = arith.maximumf %max3A_454, %get3A_473 : vector<16xf32>
        %mul3A_475 = arith.constant 4 : i32
        %mul3A_476 = arith.muli %scan3A_431, %mul3A_475 : i32
        %add3A_477 = arith.constant 2 : i32
        %add3A_478 = arith.addi %mul3A_476, %add3A_477 : i32
        %get3A_479 = arith.index_cast %add3A_478 : i32 to index
        %get3A_480 = arith.constant 0 : index
        %get3A_481 = tpu.vector_load %arg23[%get3A_479, %get3A_480] {strides = array<i32>} : memref<32x128xf32, #tpu.memory_space<vmem>>, vector<16xf32>,
        %max3A_482 = arith.maximumf %max3A_462, %get3A_481 : vector<16xf32>
        %get3A_483 = arith.index_cast %add3A_478 : i32 to index
        %get3A_484 = arith.constant 16 : index
        %get3A_485 = tpu.vector_load %arg23[%get3A_483, %get3A_484] {strides = array<i32>} : memref<32x128xf32, #tpu.memory_space<vmem>>, vector<16xf32>,
        %max3A_486 = arith.maximumf %max3A_466, %get3A_485 : vector<16xf32>
        %get3A_487 = arith.index_cast %add3A_478 : i32 to index
        %get3A_488 = arith.constant 32 : index
        %get3A_489 = tpu.vector_load %arg23[%get3A_487, %get3A_488] {strides = array<i32>} : memref<32x128xf32, #tpu.memory_space<vmem>>, vector<16xf32>,
        %max3A_490 = arith.maximumf %max3A_470, %get3A_489 : vector<16xf32>
        %get3A_491 = arith.index_cast %add3A_478 : i32 to index
        %get3A_492 = arith.constant 48 : index
        %get3A_493 = tpu.vector_load %arg23[%get3A_491, %get3A_492] {strides = array<i32>} : memref<32x128xf32, #tpu.memory_space<vmem>>, vector<16xf32>,
        %max3A_494 = arith.maximumf %max3A_474, %get3A_493 : vector<16xf32>
        %mul3A_495 = arith.constant 4 : i32
        %mul3A_496 = arith.muli %scan3A_431, %mul3A_495 : i32
        %add3A_497 = arith.constant 3 : i32
        %add3A_498 = arith.addi %mul3A_496, %add3A_497 : i32
        %get3A_499 = arith.index_cast %add3A_498 : i32 to index
        %get3A_500 = arith.constant 0 : index
        %get3A_501 = tpu.vector_load %arg23[%get3A_499, %get3A_500] {strides = array<i32>} : memref<32x128xf32, #tpu.memory_space<vmem>>, vector<16xf32>,
        %max3A_502 = arith.maximumf %max3A_482, %get3A_501 : vector<16xf32>
        %get3A_503 = arith.index_cast %add3A_498 : i32 to index
        %get3A_504 = arith.constant 16 : index
        %get3A_505 = tpu.vector_load %arg23[%get3A_503, %get3A_504] {strides = array<i32>} : memref<32x128xf32, #tpu.memory_space<vmem>>, vector<16xf32>,
        %max3A_506 = arith.maximumf %max3A_486, %get3A_505 : vector<16xf32>
        %get3A_507 = arith.index_cast %add3A_498 : i32 to index
        %get3A_508 = arith.constant 32 : index
        %get3A_509 = tpu.vector_load %arg23[%get3A_507, %get3A_508] {strides = array<i32>} : memref<32x128xf32, #tpu.memory_space<vmem>>, vector<16xf32>,
        %max3A_510 = arith.maximumf %max3A_490, %get3A_509 : vector<16xf32>
        %get3A_511 = arith.index_cast %add3A_498 : i32 to index
        %get3A_512 = arith.constant 48 : index
        %get3A_513 = tpu.vector_load %arg23[%get3A_511, %get3A_512] {strides = array<i32>} : memref<32x128xf32, #tpu.memory_space<vmem>>, vector<16xf32>,
        %max3A_514 = arith.maximumf %max3A_494, %get3A_513 : vector<16xf32>
        scf.yield %max3A_502, %max3A_506, %max3A_510, %max3A_514 : vector<16xf32>, vector<16xf32>, vector<16xf32>, vector<16xf32>
      }
      %scan3A_255 = arith.constant 8 : i32
      %mul3A_256 = arith.constant 64 : i32
      %mul3A_257 = arith.muli %add3A_241, %mul3A_256 : i32
      %add3A_258 = arith.constant 0 : i32
      %add3A_259 = arith.addi %mul3A_257, %add3A_258 : i32
      %swap3A_260 = arith.index_cast %add3A_259 : i32 to index
      %swap3A_261 = tpu.vector_load %arg27[%swap3A_260] {strides = array<i32>} : memref<16384xf32, #tpu.memory_space<vmem>>, vector<16xf32>,
      tpu.vector_store %arg27[%swap3A_260], %scan3A_254#0 {strides = array<i32>} : memref<16384xf32, #tpu.memory_space<vmem>>, vector<16xf32>,
      %mul3A_262 = arith.constant 64 : i32
      %mul3A_263 = arith.muli %add3A_241, %mul3A_262 : i32
      %add3A_264 = arith.constant 16 : i32
      %add3A_265 = arith.addi %mul3A_263, %add3A_264 : i32
      %swap3A_266 = arith.index_cast %add3A_265 : i32 to index
      %swap3A_267 = tpu.vector_load %arg27[%swap3A_266] {strides = array<i32>} : memref<16384xf32, #tpu.memory_space<vmem>>, vector<16xf32>,
      tpu.vector_store %arg27[%swap3A_266], %scan3A_254#1 {strides = array<i32>} : memref<16384xf32, #tpu.memory_space<vmem>>, vector<16xf32>,
      %mul3A_268 = arith.constant 64 : i32
      %mul3A_269 = arith.muli %add3A_241, %mul3A_268 : i32
      %add3A_270 = arith.constant 32 : i32
      %add3A_271 = arith.addi %mul3A_269, %add3A_270 : i32
      %swap3A_272 = arith.index_cast %add3A_271 : i32 to index
      %swap3A_273 = tpu.vector_load %arg27[%swap3A_272] {strides = array<i32>} : memref<16384xf32, #tpu.memory_space<vmem>>, vector<16xf32>,
      tpu.vector_store %arg27[%swap3A_272], %scan3A_254#2 {strides = array<i32>} : memref<16384xf32, #tpu.memory_space<vmem>>, vector<16xf32>,
      %mul3A_274 = arith.constant 64 : i32
      %mul3A_275 = arith.muli %add3A_241, %mul3A_274 : i32
      %add3A_276 = arith.constant 48 : i32
      %add3A_277 = arith.addi %mul3A_275, %add3A_276 : i32
      %swap3A_278 = arith.index_cast %add3A_277 : i32 to index
      %swap3A_279 = tpu.vector_load %arg27[%swap3A_278] {strides = array<i32>} : memref<16384xf32, #tpu.memory_space<vmem>>, vector<16xf32>,
      tpu.vector_store %arg27[%swap3A_278], %scan3A_254#3 {strides = array<i32>} : memref<16384xf32, #tpu.memory_space<vmem>>, vector<16xf32>,
      %gt3A_280 = arith.constant 0 : i32
      %gt3A_281 = arith.cmpi sgt, %while3A_55#1, %gt3A_280 : i32
      %select_n3A_282 = arith.select %gt3A_281, %broadcast_in_dim3A_34, %broadcast_in_dim3A_32 : vector<16xf32>
      %broadcast_in_dim3A_283 = vector.broadcast %add3A_241 : i32 to vector<16xi32>
      tpu.vector_store_idx %arg28[%broadcast_in_dim3A_283], %select_n3A_282 masked %eq3A_36 : memref<256xf32, #tpu.memory_space<vmem>>[vector<16xi32>], vector<16xf32>, vector<16xi1>
      %dma_wait3A_284 = arith.constant 0 : i32
      %dma_wait3A_285 = tpu.memref_slice %arg20[%dma_wait3A_284] : memref<64xi32, #tpu.memory_space<vmem>> -> memref<32xi32, #tpu.memory_space<vmem>>
      %dma_wait3A_286 = arith.constant 0 : i32
      %dma_wait3A_287 = arith.constant 0 : i32
      %dma_wait3A_288 = tpu.memref_slice %arg8[%dma_wait3A_286, %dma_wait3A_287] : memref<32768x128xf32, #tpu.memory_space<hbm>> -> memref<32768x128xf32, #tpu.memory_space<hbm>>
      tpu.wait_indirect_dma semaphore(%arg30 : memref<!tpu.dma_semaphore, #tpu.memory_space<semaphore_mem>>) src(%dma_wait3A_288 : memref<32768x128xf32, #tpu.memory_space<hbm>>) dst(%arg24 : memref<32x128xf32, #tpu.memory_space<vmem>>)
      %add3A_289 = arith.constant 1 : i32
      %add3A_290 = arith.addi %mul3A_47, %add3A_289 : i32
      %broadcast_in_dim3A_291 = arith.constant 0xFF800000 : f32
      %broadcast_in_dim3A_292 = vector.broadcast %broadcast_in_dim3A_291 : f32 to vector<16xf32>
      %broadcast_in_dim3A_293 = arith.constant 0xFF800000 : f32
      %broadcast_in_dim3A_294 = vector.broadcast %broadcast_in_dim3A_293 : f32 to vector<16xf32>
      %broadcast_in_dim3A_295 = arith.constant 0xFF800000 : f32
      %broadcast_in_dim3A_296 = vector.broadcast %broadcast_in_dim3A_295 : f32 to vector<16xf32>
      %broadcast_in_dim3A_297 = arith.constant 0xFF800000 : f32
      %broadcast_in_dim3A_298 = vector.broadcast %broadcast_in_dim3A_297 : f32 to vector<16xf32>
      %scan3A_299 = arith.constant 0 : i32
      %scan3A_300 = arith.constant 8 : i32
      %scan3A_301 = arith.addi %scan3A_299, %scan3A_300 : i32
      %scan3A_302 = arith.constant 1 : i32
      %scan3A_303:4 = scf.for %scan3A_431 = %scan3A_299 to %scan3A_301 step %scan3A_302 iter_args(%scan3A_432 = %broadcast_in_dim3A_292, %scan3A_433 = %broadcast_in_dim3A_294, %scan3A_434 = %broadcast_in_dim3A_296, %scan3A_435 = %broadcast_in_dim3A_298) -> (vector<16xf32>, vector<16xf32>, vector<16xf32>, vector<16xf32>)  : i32 {
        %mul3A_436 = arith.constant 4 : i32
        %mul3A_437 = arith.muli %scan3A_431, %mul3A_436 : i32
        %add3A_438 = arith.constant 0 : i32
        %add3A_439 = arith.addi %mul3A_437, %add3A_438 : i32
        %get3A_440 = arith.index_cast %add3A_439 : i32 to index
        %get3A_441 = arith.constant 0 : index
        %get3A_442 = tpu.vector_load %arg24[%get3A_440, %get3A_441] {strides = array<i32>} : memref<32x128xf32, #tpu.memory_space<vmem>>, vector<16xf32>,
        %max3A = arith.maximumf %scan3A_432, %get3A_442 : vector<16xf32>
        %get3A_443 = arith.index_cast %add3A_439 : i32 to index
        %get3A_444 = arith.constant 16 : index
        %get3A_445 = tpu.vector_load %arg24[%get3A_443, %get3A_444] {strides = array<i32>} : memref<32x128xf32, #tpu.memory_space<vmem>>, vector<16xf32>,
        %max3A_446 = arith.maximumf %scan3A_433, %get3A_445 : vector<16xf32>
        %get3A_447 = arith.index_cast %add3A_439 : i32 to index
        %get3A_448 = arith.constant 32 : index
        %get3A_449 = tpu.vector_load %arg24[%get3A_447, %get3A_448] {strides = array<i32>} : memref<32x128xf32, #tpu.memory_space<vmem>>, vector<16xf32>,
        %max3A_450 = arith.maximumf %scan3A_434, %get3A_449 : vector<16xf32>
        %get3A_451 = arith.index_cast %add3A_439 : i32 to index
        %get3A_452 = arith.constant 48 : index
        %get3A_453 = tpu.vector_load %arg24[%get3A_451, %get3A_452] {strides = array<i32>} : memref<32x128xf32, #tpu.memory_space<vmem>>, vector<16xf32>,
        %max3A_454 = arith.maximumf %scan3A_435, %get3A_453 : vector<16xf32>
        %mul3A_455 = arith.constant 4 : i32
        %mul3A_456 = arith.muli %scan3A_431, %mul3A_455 : i32
        %add3A_457 = arith.constant 1 : i32
        %add3A_458 = arith.addi %mul3A_456, %add3A_457 : i32
        %get3A_459 = arith.index_cast %add3A_458 : i32 to index
        %get3A_460 = arith.constant 0 : index
        %get3A_461 = tpu.vector_load %arg24[%get3A_459, %get3A_460] {strides = array<i32>} : memref<32x128xf32, #tpu.memory_space<vmem>>, vector<16xf32>,
        %max3A_462 = arith.maximumf %max3A, %get3A_461 : vector<16xf32>
        %get3A_463 = arith.index_cast %add3A_458 : i32 to index
        %get3A_464 = arith.constant 16 : index
        %get3A_465 = tpu.vector_load %arg24[%get3A_463, %get3A_464] {strides = array<i32>} : memref<32x128xf32, #tpu.memory_space<vmem>>, vector<16xf32>,
        %max3A_466 = arith.maximumf %max3A_446, %get3A_465 : vector<16xf32>
        %get3A_467 = arith.index_cast %add3A_458 : i32 to index
        %get3A_468 = arith.constant 32 : index
        %get3A_469 = tpu.vector_load %arg24[%get3A_467, %get3A_468] {strides = array<i32>} : memref<32x128xf32, #tpu.memory_space<vmem>>, vector<16xf32>,
        %max3A_470 = arith.maximumf %max3A_450, %get3A_469 : vector<16xf32>
        %get3A_471 = arith.index_cast %add3A_458 : i32 to index
        %get3A_472 = arith.constant 48 : index
        %get3A_473 = tpu.vector_load %arg24[%get3A_471, %get3A_472] {strides = array<i32>} : memref<32x128xf32, #tpu.memory_space<vmem>>, vector<16xf32>,
        %max3A_474 = arith.maximumf %max3A_454, %get3A_473 : vector<16xf32>
        %mul3A_475 = arith.constant 4 : i32
        %mul3A_476 = arith.muli %scan3A_431, %mul3A_475 : i32
        %add3A_477 = arith.constant 2 : i32
        %add3A_478 = arith.addi %mul3A_476, %add3A_477 : i32
        %get3A_479 = arith.index_cast %add3A_478 : i32 to index
        %get3A_480 = arith.constant 0 : index
        %get3A_481 = tpu.vector_load %arg24[%get3A_479, %get3A_480] {strides = array<i32>} : memref<32x128xf32, #tpu.memory_space<vmem>>, vector<16xf32>,
        %max3A_482 = arith.maximumf %max3A_462, %get3A_481 : vector<16xf32>
        %get3A_483 = arith.index_cast %add3A_478 : i32 to index
        %get3A_484 = arith.constant 16 : index
        %get3A_485 = tpu.vector_load %arg24[%get3A_483, %get3A_484] {strides = array<i32>} : memref<32x128xf32, #tpu.memory_space<vmem>>, vector<16xf32>,
        %max3A_486 = arith.maximumf %max3A_466, %get3A_485 : vector<16xf32>
        %get3A_487 = arith.index_cast %add3A_478 : i32 to index
        %get3A_488 = arith.constant 32 : index
        %get3A_489 = tpu.vector_load %arg24[%get3A_487, %get3A_488] {strides = array<i32>} : memref<32x128xf32, #tpu.memory_space<vmem>>, vector<16xf32>,
        %max3A_490 = arith.maximumf %max3A_470, %get3A_489 : vector<16xf32>
        %get3A_491 = arith.index_cast %add3A_478 : i32 to index
        %get3A_492 = arith.constant 48 : index
        %get3A_493 = tpu.vector_load %arg24[%get3A_491, %get3A_492] {strides = array<i32>} : memref<32x128xf32, #tpu.memory_space<vmem>>, vector<16xf32>,
        %max3A_494 = arith.maximumf %max3A_474, %get3A_493 : vector<16xf32>
        %mul3A_495 = arith.constant 4 : i32
        %mul3A_496 = arith.muli %scan3A_431, %mul3A_495 : i32
        %add3A_497 = arith.constant 3 : i32
        %add3A_498 = arith.addi %mul3A_496, %add3A_497 : i32
        %get3A_499 = arith.index_cast %add3A_498 : i32 to index
        %get3A_500 = arith.constant 0 : index
        %get3A_501 = tpu.vector_load %arg24[%get3A_499, %get3A_500] {strides = array<i32>} : memref<32x128xf32, #tpu.memory_space<vmem>>, vector<16xf32>,
        %max3A_502 = arith.maximumf %max3A_482, %get3A_501 : vector<16xf32>
        %get3A_503 = arith.index_cast %add3A_498 : i32 to index
        %get3A_504 = arith.constant 16 : index
        %get3A_505 = tpu.vector_load %arg24[%get3A_503, %get3A_504] {strides = array<i32>} : memref<32x128xf32, #tpu.memory_space<vmem>>, vector<16xf32>,
        %max3A_506 = arith.maximumf %max3A_486, %get3A_505 : vector<16xf32>
        %get3A_507 = arith.index_cast %add3A_498 : i32 to index
        %get3A_508 = arith.constant 32 : index
        %get3A_509 = tpu.vector_load %arg24[%get3A_507, %get3A_508] {strides = array<i32>} : memref<32x128xf32, #tpu.memory_space<vmem>>, vector<16xf32>,
        %max3A_510 = arith.maximumf %max3A_490, %get3A_509 : vector<16xf32>
        %get3A_511 = arith.index_cast %add3A_498 : i32 to index
        %get3A_512 = arith.constant 48 : index
        %get3A_513 = tpu.vector_load %arg24[%get3A_511, %get3A_512] {strides = array<i32>} : memref<32x128xf32, #tpu.memory_space<vmem>>, vector<16xf32>,
        %max3A_514 = arith.maximumf %max3A_494, %get3A_513 : vector<16xf32>
        scf.yield %max3A_502, %max3A_506, %max3A_510, %max3A_514 : vector<16xf32>, vector<16xf32>, vector<16xf32>, vector<16xf32>
      }
      %scan3A_304 = arith.constant 8 : i32
      %mul3A_305 = arith.constant 64 : i32
      %mul3A_306 = arith.muli %add3A_290, %mul3A_305 : i32
      %add3A_307 = arith.constant 0 : i32
      %add3A_308 = arith.addi %mul3A_306, %add3A_307 : i32
      %swap3A_309 = arith.index_cast %add3A_308 : i32 to index
      %swap3A_310 = tpu.vector_load %arg27[%swap3A_309] {strides = array<i32>} : memref<16384xf32, #tpu.memory_space<vmem>>, vector<16xf32>,
      tpu.vector_store %arg27[%swap3A_309], %scan3A_303#0 {strides = array<i32>} : memref<16384xf32, #tpu.memory_space<vmem>>, vector<16xf32>,
      %mul3A_311 = arith.constant 64 : i32
      %mul3A_312 = arith.muli %add3A_290, %mul3A_311 : i32
      %add3A_313 = arith.constant 16 : i32
      %add3A_314 = arith.addi %mul3A_312, %add3A_313 : i32
      %swap3A_315 = arith.index_cast %add3A_314 : i32 to index
      %swap3A_316 = tpu.vector_load %arg27[%swap3A_315] {strides = array<i32>} : memref<16384xf32, #tpu.memory_space<vmem>>, vector<16xf32>,
      tpu.vector_store %arg27[%swap3A_315], %scan3A_303#1 {strides = array<i32>} : memref<16384xf32, #tpu.memory_space<vmem>>, vector<16xf32>,
      %mul3A_317 = arith.constant 64 : i32
      %mul3A_318 = arith.muli %add3A_290, %mul3A_317 : i32
      %add3A_319 = arith.constant 32 : i32
      %add3A_320 = arith.addi %mul3A_318, %add3A_319 : i32
      %swap3A_321 = arith.index_cast %add3A_320 : i32 to index
      %swap3A_322 = tpu.vector_load %arg27[%swap3A_321] {strides = array<i32>} : memref<16384xf32, #tpu.memory_space<vmem>>, vector<16xf32>,
      tpu.vector_store %arg27[%swap3A_321], %scan3A_303#2 {strides = array<i32>} : memref<16384xf32, #tpu.memory_space<vmem>>, vector<16xf32>,
      %mul3A_323 = arith.constant 64 : i32
      %mul3A_324 = arith.muli %add3A_290, %mul3A_323 : i32
      %add3A_325 = arith.constant 48 : i32
      %add3A_326 = arith.addi %mul3A_324, %add3A_325 : i32
      %swap3A_327 = arith.index_cast %add3A_326 : i32 to index
      %swap3A_328 = tpu.vector_load %arg27[%swap3A_327] {strides = array<i32>} : memref<16384xf32, #tpu.memory_space<vmem>>, vector<16xf32>,
      tpu.vector_store %arg27[%swap3A_327], %scan3A_303#3 {strides = array<i32>} : memref<16384xf32, #tpu.memory_space<vmem>>, vector<16xf32>,
      %gt3A_329 = arith.constant 0 : i32
      %gt3A_330 = arith.cmpi sgt, %while3A_98#1, %gt3A_329 : i32
      %select_n3A_331 = arith.select %gt3A_330, %broadcast_in_dim3A_34, %broadcast_in_dim3A_32 : vector<16xf32>
      %broadcast_in_dim3A_332 = vector.broadcast %add3A_290 : i32 to vector<16xi32>
      tpu.vector_store_idx %arg28[%broadcast_in_dim3A_332], %select_n3A_331 masked %eq3A_36 : memref<256xf32, #tpu.memory_space<vmem>>[vector<16xi32>], vector<16xf32>, vector<16xi1>
      %dma_wait3A_333 = arith.constant 0 : i32
      %dma_wait3A_334 = tpu.memref_slice %arg21[%dma_wait3A_333] : memref<64xi32, #tpu.memory_space<vmem>> -> memref<32xi32, #tpu.memory_space<vmem>>
      %dma_wait3A_335 = arith.constant 0 : i32
      %dma_wait3A_336 = arith.constant 0 : i32
      %dma_wait3A_337 = tpu.memref_slice %arg8[%dma_wait3A_335, %dma_wait3A_336] : memref<32768x128xf32, #tpu.memory_space<hbm>> -> memref<32768x128xf32, #tpu.memory_space<hbm>>
      tpu.wait_indirect_dma semaphore(%arg31 : memref<!tpu.dma_semaphore, #tpu.memory_space<semaphore_mem>>) src(%dma_wait3A_337 : memref<32768x128xf32, #tpu.memory_space<hbm>>) dst(%arg25 : memref<32x128xf32, #tpu.memory_space<vmem>>)
      %add3A_338 = arith.constant 2 : i32
      %add3A_339 = arith.addi %mul3A_47, %add3A_338 : i32
      %broadcast_in_dim3A_340 = arith.constant 0xFF800000 : f32
      %broadcast_in_dim3A_341 = vector.broadcast %broadcast_in_dim3A_340 : f32 to vector<16xf32>
      %broadcast_in_dim3A_342 = arith.constant 0xFF800000 : f32
      %broadcast_in_dim3A_343 = vector.broadcast %broadcast_in_dim3A_342 : f32 to vector<16xf32>
      %broadcast_in_dim3A_344 = arith.constant 0xFF800000 : f32
      %broadcast_in_dim3A_345 = vector.broadcast %broadcast_in_dim3A_344 : f32 to vector<16xf32>
      %broadcast_in_dim3A_346 = arith.constant 0xFF800000 : f32
      %broadcast_in_dim3A_347 = vector.broadcast %broadcast_in_dim3A_346 : f32 to vector<16xf32>
      %scan3A_348 = arith.constant 0 : i32
      %scan3A_349 = arith.constant 8 : i32
      %scan3A_350 = arith.addi %scan3A_348, %scan3A_349 : i32
      %scan3A_351 = arith.constant 1 : i32
      %scan3A_352:4 = scf.for %scan3A_431 = %scan3A_348 to %scan3A_350 step %scan3A_351 iter_args(%scan3A_432 = %broadcast_in_dim3A_341, %scan3A_433 = %broadcast_in_dim3A_343, %scan3A_434 = %broadcast_in_dim3A_345, %scan3A_435 = %broadcast_in_dim3A_347) -> (vector<16xf32>, vector<16xf32>, vector<16xf32>, vector<16xf32>)  : i32 {
        %mul3A_436 = arith.constant 4 : i32
        %mul3A_437 = arith.muli %scan3A_431, %mul3A_436 : i32
        %add3A_438 = arith.constant 0 : i32
        %add3A_439 = arith.addi %mul3A_437, %add3A_438 : i32
        %get3A_440 = arith.index_cast %add3A_439 : i32 to index
        %get3A_441 = arith.constant 0 : index
        %get3A_442 = tpu.vector_load %arg25[%get3A_440, %get3A_441] {strides = array<i32>} : memref<32x128xf32, #tpu.memory_space<vmem>>, vector<16xf32>,
        %max3A = arith.maximumf %scan3A_432, %get3A_442 : vector<16xf32>
        %get3A_443 = arith.index_cast %add3A_439 : i32 to index
        %get3A_444 = arith.constant 16 : index
        %get3A_445 = tpu.vector_load %arg25[%get3A_443, %get3A_444] {strides = array<i32>} : memref<32x128xf32, #tpu.memory_space<vmem>>, vector<16xf32>,
        %max3A_446 = arith.maximumf %scan3A_433, %get3A_445 : vector<16xf32>
        %get3A_447 = arith.index_cast %add3A_439 : i32 to index
        %get3A_448 = arith.constant 32 : index
        %get3A_449 = tpu.vector_load %arg25[%get3A_447, %get3A_448] {strides = array<i32>} : memref<32x128xf32, #tpu.memory_space<vmem>>, vector<16xf32>,
        %max3A_450 = arith.maximumf %scan3A_434, %get3A_449 : vector<16xf32>
        %get3A_451 = arith.index_cast %add3A_439 : i32 to index
        %get3A_452 = arith.constant 48 : index
        %get3A_453 = tpu.vector_load %arg25[%get3A_451, %get3A_452] {strides = array<i32>} : memref<32x128xf32, #tpu.memory_space<vmem>>, vector<16xf32>,
        %max3A_454 = arith.maximumf %scan3A_435, %get3A_453 : vector<16xf32>
        %mul3A_455 = arith.constant 4 : i32
        %mul3A_456 = arith.muli %scan3A_431, %mul3A_455 : i32
        %add3A_457 = arith.constant 1 : i32
        %add3A_458 = arith.addi %mul3A_456, %add3A_457 : i32
        %get3A_459 = arith.index_cast %add3A_458 : i32 to index
        %get3A_460 = arith.constant 0 : index
        %get3A_461 = tpu.vector_load %arg25[%get3A_459, %get3A_460] {strides = array<i32>} : memref<32x128xf32, #tpu.memory_space<vmem>>, vector<16xf32>,
        %max3A_462 = arith.maximumf %max3A, %get3A_461 : vector<16xf32>
        %get3A_463 = arith.index_cast %add3A_458 : i32 to index
        %get3A_464 = arith.constant 16 : index
        %get3A_465 = tpu.vector_load %arg25[%get3A_463, %get3A_464] {strides = array<i32>} : memref<32x128xf32, #tpu.memory_space<vmem>>, vector<16xf32>,
        %max3A_466 = arith.maximumf %max3A_446, %get3A_465 : vector<16xf32>
        %get3A_467 = arith.index_cast %add3A_458 : i32 to index
        %get3A_468 = arith.constant 32 : index
        %get3A_469 = tpu.vector_load %arg25[%get3A_467, %get3A_468] {strides = array<i32>} : memref<32x128xf32, #tpu.memory_space<vmem>>, vector<16xf32>,
        %max3A_470 = arith.maximumf %max3A_450, %get3A_469 : vector<16xf32>
        %get3A_471 = arith.index_cast %add3A_458 : i32 to index
        %get3A_472 = arith.constant 48 : index
        %get3A_473 = tpu.vector_load %arg25[%get3A_471, %get3A_472] {strides = array<i32>} : memref<32x128xf32, #tpu.memory_space<vmem>>, vector<16xf32>,
        %max3A_474 = arith.maximumf %max3A_454, %get3A_473 : vector<16xf32>
        %mul3A_475 = arith.constant 4 : i32
        %mul3A_476 = arith.muli %scan3A_431, %mul3A_475 : i32
        %add3A_477 = arith.constant 2 : i32
        %add3A_478 = arith.addi %mul3A_476, %add3A_477 : i32
        %get3A_479 = arith.index_cast %add3A_478 : i32 to index
        %get3A_480 = arith.constant 0 : index
        %get3A_481 = tpu.vector_load %arg25[%get3A_479, %get3A_480] {strides = array<i32>} : memref<32x128xf32, #tpu.memory_space<vmem>>, vector<16xf32>,
        %max3A_482 = arith.maximumf %max3A_462, %get3A_481 : vector<16xf32>
        %get3A_483 = arith.index_cast %add3A_478 : i32 to index
        %get3A_484 = arith.constant 16 : index
        %get3A_485 = tpu.vector_load %arg25[%get3A_483, %get3A_484] {strides = array<i32>} : memref<32x128xf32, #tpu.memory_space<vmem>>, vector<16xf32>,
        %max3A_486 = arith.maximumf %max3A_466, %get3A_485 : vector<16xf32>
        %get3A_487 = arith.index_cast %add3A_478 : i32 to index
        %get3A_488 = arith.constant 32 : index
        %get3A_489 = tpu.vector_load %arg25[%get3A_487, %get3A_488] {strides = array<i32>} : memref<32x128xf32, #tpu.memory_space<vmem>>, vector<16xf32>,
        %max3A_490 = arith.maximumf %max3A_470, %get3A_489 : vector<16xf32>
        %get3A_491 = arith.index_cast %add3A_478 : i32 to index
        %get3A_492 = arith.constant 48 : index
        %get3A_493 = tpu.vector_load %arg25[%get3A_491, %get3A_492] {strides = array<i32>} : memref<32x128xf32, #tpu.memory_space<vmem>>, vector<16xf32>,
        %max3A_494 = arith.maximumf %max3A_474, %get3A_493 : vector<16xf32>
        %mul3A_495 = arith.constant 4 : i32
        %mul3A_496 = arith.muli %scan3A_431, %mul3A_495 : i32
        %add3A_497 = arith.constant 3 : i32
        %add3A_498 = arith.addi %mul3A_496, %add3A_497 : i32
        %get3A_499 = arith.index_cast %add3A_498 : i32 to index
        %get3A_500 = arith.constant 0 : index
        %get3A_501 = tpu.vector_load %arg25[%get3A_499, %get3A_500] {strides = array<i32>} : memref<32x128xf32, #tpu.memory_space<vmem>>, vector<16xf32>,
        %max3A_502 = arith.maximumf %max3A_482, %get3A_501 : vector<16xf32>
        %get3A_503 = arith.index_cast %add3A_498 : i32 to index
        %get3A_504 = arith.constant 16 : index
        %get3A_505 = tpu.vector_load %arg25[%get3A_503, %get3A_504] {strides = array<i32>} : memref<32x128xf32, #tpu.memory_space<vmem>>, vector<16xf32>,
        %max3A_506 = arith.maximumf %max3A_486, %get3A_505 : vector<16xf32>
        %get3A_507 = arith.index_cast %add3A_498 : i32 to index
        %get3A_508 = arith.constant 32 : index
        %get3A_509 = tpu.vector_load %arg25[%get3A_507, %get3A_508] {strides = array<i32>} : memref<32x128xf32, #tpu.memory_space<vmem>>, vector<16xf32>,
        %max3A_510 = arith.maximumf %max3A_490, %get3A_509 : vector<16xf32>
        %get3A_511 = arith.index_cast %add3A_498 : i32 to index
        %get3A_512 = arith.constant 48 : index
        %get3A_513 = tpu.vector_load %arg25[%get3A_511, %get3A_512] {strides = array<i32>} : memref<32x128xf32, #tpu.memory_space<vmem>>, vector<16xf32>,
        %max3A_514 = arith.maximumf %max3A_494, %get3A_513 : vector<16xf32>
        scf.yield %max3A_502, %max3A_506, %max3A_510, %max3A_514 : vector<16xf32>, vector<16xf32>, vector<16xf32>, vector<16xf32>
      }
      %scan3A_353 = arith.constant 8 : i32
      %mul3A_354 = arith.constant 64 : i32
      %mul3A_355 = arith.muli %add3A_339, %mul3A_354 : i32
      %add3A_356 = arith.constant 0 : i32
      %add3A_357 = arith.addi %mul3A_355, %add3A_356 : i32
      %swap3A_358 = arith.index_cast %add3A_357 : i32 to index
      %swap3A_359 = tpu.vector_load %arg27[%swap3A_358] {strides = array<i32>} : memref<16384xf32, #tpu.memory_space<vmem>>, vector<16xf32>,
      tpu.vector_store %arg27[%swap3A_358], %scan3A_352#0 {strides = array<i32>} : memref<16384xf32, #tpu.memory_space<vmem>>, vector<16xf32>,
      %mul3A_360 = arith.constant 64 : i32
      %mul3A_361 = arith.muli %add3A_339, %mul3A_360 : i32
      %add3A_362 = arith.constant 16 : i32
      %add3A_363 = arith.addi %mul3A_361, %add3A_362 : i32
      %swap3A_364 = arith.index_cast %add3A_363 : i32 to index
      %swap3A_365 = tpu.vector_load %arg27[%swap3A_364] {strides = array<i32>} : memref<16384xf32, #tpu.memory_space<vmem>>, vector<16xf32>,
      tpu.vector_store %arg27[%swap3A_364], %scan3A_352#1 {strides = array<i32>} : memref<16384xf32, #tpu.memory_space<vmem>>, vector<16xf32>,
      %mul3A_366 = arith.constant 64 : i32
      %mul3A_367 = arith.muli %add3A_339, %mul3A_366 : i32
      %add3A_368 = arith.constant 32 : i32
      %add3A_369 = arith.addi %mul3A_367, %add3A_368 : i32
      %swap3A_370 = arith.index_cast %add3A_369 : i32 to index
      %swap3A_371 = tpu.vector_load %arg27[%swap3A_370] {strides = array<i32>} : memref<16384xf32, #tpu.memory_space<vmem>>, vector<16xf32>,
      tpu.vector_store %arg27[%swap3A_370], %scan3A_352#2 {strides = array<i32>} : memref<16384xf32, #tpu.memory_space<vmem>>, vector<16xf32>,
      %mul3A_372 = arith.constant 64 : i32
      %mul3A_373 = arith.muli %add3A_339, %mul3A_372 : i32
      %add3A_374 = arith.constant 48 : i32
      %add3A_375 = arith.addi %mul3A_373, %add3A_374 : i32
      %swap3A_376 = arith.index_cast %add3A_375 : i32 to index
      %swap3A_377 = tpu.vector_load %arg27[%swap3A_376] {strides = array<i32>} : memref<16384xf32, #tpu.memory_space<vmem>>, vector<16xf32>,
      tpu.vector_store %arg27[%swap3A_376], %scan3A_352#3 {strides = array<i32>} : memref<16384xf32, #tpu.memory_space<vmem>>, vector<16xf32>,
      %gt3A_378 = arith.constant 0 : i32
      %gt3A_379 = arith.cmpi sgt, %while3A_147#1, %gt3A_378 : i32
      %select_n3A_380 = arith.select %gt3A_379, %broadcast_in_dim3A_34, %broadcast_in_dim3A_32 : vector<16xf32>
      %broadcast_in_dim3A_381 = vector.broadcast %add3A_339 : i32 to vector<16xi32>
      tpu.vector_store_idx %arg28[%broadcast_in_dim3A_381], %select_n3A_380 masked %eq3A_36 : memref<256xf32, #tpu.memory_space<vmem>>[vector<16xi32>], vector<16xf32>, vector<16xi1>
      %dma_wait3A_382 = arith.constant 0 : i32
      %dma_wait3A_383 = tpu.memref_slice %arg22[%dma_wait3A_382] : memref<64xi32, #tpu.memory_space<vmem>> -> memref<32xi32, #tpu.memory_space<vmem>>
      %dma_wait3A_384 = arith.constant 0 : i32
      %dma_wait3A_385 = arith.constant 0 : i32
      %dma_wait3A_386 = tpu.memref_slice %arg8[%dma_wait3A_384, %dma_wait3A_385] : memref<32768x128xf32, #tpu.memory_space<hbm>> -> memref<32768x128xf32, #tpu.memory_space<hbm>>
      tpu.wait_indirect_dma semaphore(%arg32 : memref<!tpu.dma_semaphore, #tpu.memory_space<semaphore_mem>>) src(%dma_wait3A_386 : memref<32768x128xf32, #tpu.memory_space<hbm>>) dst(%arg26 : memref<32x128xf32, #tpu.memory_space<vmem>>)
      %add3A_387 = arith.constant 3 : i32
      %add3A_388 = arith.addi %mul3A_47, %add3A_387 : i32
      %broadcast_in_dim3A_389 = arith.constant 0xFF800000 : f32
      %broadcast_in_dim3A_390 = vector.broadcast %broadcast_in_dim3A_389 : f32 to vector<16xf32>
      %broadcast_in_dim3A_391 = arith.constant 0xFF800000 : f32
      %broadcast_in_dim3A_392 = vector.broadcast %broadcast_in_dim3A_391 : f32 to vector<16xf32>
      %broadcast_in_dim3A_393 = arith.constant 0xFF800000 : f32
      %broadcast_in_dim3A_394 = vector.broadcast %broadcast_in_dim3A_393 : f32 to vector<16xf32>
      %broadcast_in_dim3A_395 = arith.constant 0xFF800000 : f32
      %broadcast_in_dim3A_396 = vector.broadcast %broadcast_in_dim3A_395 : f32 to vector<16xf32>
      %scan3A_397 = arith.constant 0 : i32
      %scan3A_398 = arith.constant 8 : i32
      %scan3A_399 = arith.addi %scan3A_397, %scan3A_398 : i32
      %scan3A_400 = arith.constant 1 : i32
      %scan3A_401:4 = scf.for %scan3A_431 = %scan3A_397 to %scan3A_399 step %scan3A_400 iter_args(%scan3A_432 = %broadcast_in_dim3A_390, %scan3A_433 = %broadcast_in_dim3A_392, %scan3A_434 = %broadcast_in_dim3A_394, %scan3A_435 = %broadcast_in_dim3A_396) -> (vector<16xf32>, vector<16xf32>, vector<16xf32>, vector<16xf32>)  : i32 {
        %mul3A_436 = arith.constant 4 : i32
        %mul3A_437 = arith.muli %scan3A_431, %mul3A_436 : i32
        %add3A_438 = arith.constant 0 : i32
        %add3A_439 = arith.addi %mul3A_437, %add3A_438 : i32
        %get3A_440 = arith.index_cast %add3A_439 : i32 to index
        %get3A_441 = arith.constant 0 : index
        %get3A_442 = tpu.vector_load %arg26[%get3A_440, %get3A_441] {strides = array<i32>} : memref<32x128xf32, #tpu.memory_space<vmem>>, vector<16xf32>,
        %max3A = arith.maximumf %scan3A_432, %get3A_442 : vector<16xf32>
        %get3A_443 = arith.index_cast %add3A_439 : i32 to index
        %get3A_444 = arith.constant 16 : index
        %get3A_445 = tpu.vector_load %arg26[%get3A_443, %get3A_444] {strides = array<i32>} : memref<32x128xf32, #tpu.memory_space<vmem>>, vector<16xf32>,
        %max3A_446 = arith.maximumf %scan3A_433, %get3A_445 : vector<16xf32>
        %get3A_447 = arith.index_cast %add3A_439 : i32 to index
        %get3A_448 = arith.constant 32 : index
        %get3A_449 = tpu.vector_load %arg26[%get3A_447, %get3A_448] {strides = array<i32>} : memref<32x128xf32, #tpu.memory_space<vmem>>, vector<16xf32>,
        %max3A_450 = arith.maximumf %scan3A_434, %get3A_449 : vector<16xf32>
        %get3A_451 = arith.index_cast %add3A_439 : i32 to index
        %get3A_452 = arith.constant 48 : index
        %get3A_453 = tpu.vector_load %arg26[%get3A_451, %get3A_452] {strides = array<i32>} : memref<32x128xf32, #tpu.memory_space<vmem>>, vector<16xf32>,
        %max3A_454 = arith.maximumf %scan3A_435, %get3A_453 : vector<16xf32>
        %mul3A_455 = arith.constant 4 : i32
        %mul3A_456 = arith.muli %scan3A_431, %mul3A_455 : i32
        %add3A_457 = arith.constant 1 : i32
        %add3A_458 = arith.addi %mul3A_456, %add3A_457 : i32
        %get3A_459 = arith.index_cast %add3A_458 : i32 to index
        %get3A_460 = arith.constant 0 : index
        %get3A_461 = tpu.vector_load %arg26[%get3A_459, %get3A_460] {strides = array<i32>} : memref<32x128xf32, #tpu.memory_space<vmem>>, vector<16xf32>,
        %max3A_462 = arith.maximumf %max3A, %get3A_461 : vector<16xf32>
        %get3A_463 = arith.index_cast %add3A_458 : i32 to index
        %get3A_464 = arith.constant 16 : index
        %get3A_465 = tpu.vector_load %arg26[%get3A_463, %get3A_464] {strides = array<i32>} : memref<32x128xf32, #tpu.memory_space<vmem>>, vector<16xf32>,
        %max3A_466 = arith.maximumf %max3A_446, %get3A_465 : vector<16xf32>
        %get3A_467 = arith.index_cast %add3A_458 : i32 to index
        %get3A_468 = arith.constant 32 : index
        %get3A_469 = tpu.vector_load %arg26[%get3A_467, %get3A_468] {strides = array<i32>} : memref<32x128xf32, #tpu.memory_space<vmem>>, vector<16xf32>,
        %max3A_470 = arith.maximumf %max3A_450, %get3A_469 : vector<16xf32>
        %get3A_471 = arith.index_cast %add3A_458 : i32 to index
        %get3A_472 = arith.constant 48 : index
        %get3A_473 = tpu.vector_load %arg26[%get3A_471, %get3A_472] {strides = array<i32>} : memref<32x128xf32, #tpu.memory_space<vmem>>, vector<16xf32>,
        %max3A_474 = arith.maximumf %max3A_454, %get3A_473 : vector<16xf32>
        %mul3A_475 = arith.constant 4 : i32
        %mul3A_476 = arith.muli %scan3A_431, %mul3A_475 : i32
        %add3A_477 = arith.constant 2 : i32
        %add3A_478 = arith.addi %mul3A_476, %add3A_477 : i32
        %get3A_479 = arith.index_cast %add3A_478 : i32 to index
        %get3A_480 = arith.constant 0 : index
        %get3A_481 = tpu.vector_load %arg26[%get3A_479, %get3A_480] {strides = array<i32>} : memref<32x128xf32, #tpu.memory_space<vmem>>, vector<16xf32>,
        %max3A_482 = arith.maximumf %max3A_462, %get3A_481 : vector<16xf32>
        %get3A_483 = arith.index_cast %add3A_478 : i32 to index
        %get3A_484 = arith.constant 16 : index
        %get3A_485 = tpu.vector_load %arg26[%get3A_483, %get3A_484] {strides = array<i32>} : memref<32x128xf32, #tpu.memory_space<vmem>>, vector<16xf32>,
        %max3A_486 = arith.maximumf %max3A_466, %get3A_485 : vector<16xf32>
        %get3A_487 = arith.index_cast %add3A_478 : i32 to index
        %get3A_488 = arith.constant 32 : index
        %get3A_489 = tpu.vector_load %arg26[%get3A_487, %get3A_488] {strides = array<i32>} : memref<32x128xf32, #tpu.memory_space<vmem>>, vector<16xf32>,
        %max3A_490 = arith.maximumf %max3A_470, %get3A_489 : vector<16xf32>
        %get3A_491 = arith.index_cast %add3A_478 : i32 to index
        %get3A_492 = arith.constant 48 : index
        %get3A_493 = tpu.vector_load %arg26[%get3A_491, %get3A_492] {strides = array<i32>} : memref<32x128xf32, #tpu.memory_space<vmem>>, vector<16xf32>,
        %max3A_494 = arith.maximumf %max3A_474, %get3A_493 : vector<16xf32>
        %mul3A_495 = arith.constant 4 : i32
        %mul3A_496 = arith.muli %scan3A_431, %mul3A_495 : i32
        %add3A_497 = arith.constant 3 : i32
        %add3A_498 = arith.addi %mul3A_496, %add3A_497 : i32
        %get3A_499 = arith.index_cast %add3A_498 : i32 to index
        %get3A_500 = arith.constant 0 : index
        %get3A_501 = tpu.vector_load %arg26[%get3A_499, %get3A_500] {strides = array<i32>} : memref<32x128xf32, #tpu.memory_space<vmem>>, vector<16xf32>,
        %max3A_502 = arith.maximumf %max3A_482, %get3A_501 : vector<16xf32>
        %get3A_503 = arith.index_cast %add3A_498 : i32 to index
        %get3A_504 = arith.constant 16 : index
        %get3A_505 = tpu.vector_load %arg26[%get3A_503, %get3A_504] {strides = array<i32>} : memref<32x128xf32, #tpu.memory_space<vmem>>, vector<16xf32>,
        %max3A_506 = arith.maximumf %max3A_486, %get3A_505 : vector<16xf32>
        %get3A_507 = arith.index_cast %add3A_498 : i32 to index
        %get3A_508 = arith.constant 32 : index
        %get3A_509 = tpu.vector_load %arg26[%get3A_507, %get3A_508] {strides = array<i32>} : memref<32x128xf32, #tpu.memory_space<vmem>>, vector<16xf32>,
        %max3A_510 = arith.maximumf %max3A_490, %get3A_509 : vector<16xf32>
        %get3A_511 = arith.index_cast %add3A_498 : i32 to index
        %get3A_512 = arith.constant 48 : index
        %get3A_513 = tpu.vector_load %arg26[%get3A_511, %get3A_512] {strides = array<i32>} : memref<32x128xf32, #tpu.memory_space<vmem>>, vector<16xf32>,
        %max3A_514 = arith.maximumf %max3A_494, %get3A_513 : vector<16xf32>
        scf.yield %max3A_502, %max3A_506, %max3A_510, %max3A_514 : vector<16xf32>, vector<16xf32>, vector<16xf32>, vector<16xf32>
      }
      %scan3A_402 = arith.constant 8 : i32
      %mul3A_403 = arith.constant 64 : i32
      %mul3A_404 = arith.muli %add3A_388, %mul3A_403 : i32
      %add3A_405 = arith.constant 0 : i32
      %add3A_406 = arith.addi %mul3A_404, %add3A_405 : i32
      %swap3A_407 = arith.index_cast %add3A_406 : i32 to index
      %swap3A_408 = tpu.vector_load %arg27[%swap3A_407] {strides = array<i32>} : memref<16384xf32, #tpu.memory_space<vmem>>, vector<16xf32>,
      tpu.vector_store %arg27[%swap3A_407], %scan3A_401#0 {strides = array<i32>} : memref<16384xf32, #tpu.memory_space<vmem>>, vector<16xf32>,
      %mul3A_409 = arith.constant 64 : i32
      %mul3A_410 = arith.muli %add3A_388, %mul3A_409 : i32
      %add3A_411 = arith.constant 16 : i32
      %add3A_412 = arith.addi %mul3A_410, %add3A_411 : i32
      %swap3A_413 = arith.index_cast %add3A_412 : i32 to index
      %swap3A_414 = tpu.vector_load %arg27[%swap3A_413] {strides = array<i32>} : memref<16384xf32, #tpu.memory_space<vmem>>, vector<16xf32>,
      tpu.vector_store %arg27[%swap3A_413], %scan3A_401#1 {strides = array<i32>} : memref<16384xf32, #tpu.memory_space<vmem>>, vector<16xf32>,
      %mul3A_415 = arith.constant 64 : i32
      %mul3A_416 = arith.muli %add3A_388, %mul3A_415 : i32
      %add3A_417 = arith.constant 32 : i32
      %add3A_418 = arith.addi %mul3A_416, %add3A_417 : i32
      %swap3A_419 = arith.index_cast %add3A_418 : i32 to index
      %swap3A_420 = tpu.vector_load %arg27[%swap3A_419] {strides = array<i32>} : memref<16384xf32, #tpu.memory_space<vmem>>, vector<16xf32>,
      tpu.vector_store %arg27[%swap3A_419], %scan3A_401#2 {strides = array<i32>} : memref<16384xf32, #tpu.memory_space<vmem>>, vector<16xf32>,
      %mul3A_421 = arith.constant 64 : i32
      %mul3A_422 = arith.muli %add3A_388, %mul3A_421 : i32
      %add3A_423 = arith.constant 48 : i32
      %add3A_424 = arith.addi %mul3A_422, %add3A_423 : i32
      %swap3A_425 = arith.index_cast %add3A_424 : i32 to index
      %swap3A_426 = tpu.vector_load %arg27[%swap3A_425] {strides = array<i32>} : memref<16384xf32, #tpu.memory_space<vmem>>, vector<16xf32>,
      tpu.vector_store %arg27[%swap3A_425], %scan3A_401#3 {strides = array<i32>} : memref<16384xf32, #tpu.memory_space<vmem>>, vector<16xf32>,
      %gt3A_427 = arith.constant 0 : i32
      %gt3A_428 = arith.cmpi sgt, %while3A_196#1, %gt3A_427 : i32
      %select_n3A_429 = arith.select %gt3A_428, %broadcast_in_dim3A_34, %broadcast_in_dim3A_32 : vector<16xf32>
      %broadcast_in_dim3A_430 = vector.broadcast %add3A_388 : i32 to vector<16xi32>
      tpu.vector_store_idx %arg28[%broadcast_in_dim3A_430], %select_n3A_429 masked %eq3A_36 : memref<256xf32, #tpu.memory_space<vmem>>[vector<16xi32>], vector<16xf32>, vector<16xi1>
    }
    %scan3A_42 = arith.constant 64 : i32
    %mul3A_43 = arith.constant 64 : i32
    %mul3A_44 = arith.muli %mul3A_2, %mul3A_43 : i32
    "tpu.region"() ({
      %run_scoped3A = tpu.sem_alloc : memref<!tpu.dma_semaphore, #tpu.memory_space<semaphore_mem>>
      %dma_start3A = tpu.memref_slice %arg9[%mul3A_44] : memref<524288xf32, #tpu.memory_space<hbm>> -> memref<16384xf32, #tpu.memory_space<hbm>>
      %dma_start3A_45 = tpu.memref_slice %arg9[%mul3A_44] : memref<524288xf32, #tpu.memory_space<hbm>> -> memref<16384xf32, #tpu.memory_space<hbm>>
      tpu.enqueue_dma source(%arg27 : memref<16384xf32, #tpu.memory_space<vmem>>) target(%dma_start3A_45 : memref<16384xf32, #tpu.memory_space<hbm>>) target_semaphore(%run_scoped3A : memref<!tpu.dma_semaphore, #tpu.memory_space<semaphore_mem>>)
      %dma_wait3A = tpu.memref_slice %arg9[%mul3A_44] : memref<524288xf32, #tpu.memory_space<hbm>> -> memref<16384xf32, #tpu.memory_space<hbm>>
      %dma_wait3A_46 = tpu.memref_slice %arg9[%mul3A_44] : memref<524288xf32, #tpu.memory_space<hbm>> -> memref<16384xf32, #tpu.memory_space<hbm>>
      tpu.wait_dma2 semaphore(%run_scoped3A : memref<!tpu.dma_semaphore, #tpu.memory_space<semaphore_mem>>) src(%arg27 : memref<16384xf32, #tpu.memory_space<vmem>>) dst(%dma_wait3A_46 : memref<16384xf32, #tpu.memory_space<hbm>>)
      tpu.yield
    }) : () -> ()
    "tpu.region"() ({
      %run_scoped3A = tpu.sem_alloc : memref<!tpu.dma_semaphore, #tpu.memory_space<semaphore_mem>>
      %dma_start3A = tpu.memref_slice %arg10[%mul3A_2] : memref<8192xf32, #tpu.memory_space<hbm>> -> memref<256xf32, #tpu.memory_space<hbm>>
      %dma_start3A_45 = tpu.memref_slice %arg10[%mul3A_2] : memref<8192xf32, #tpu.memory_space<hbm>> -> memref<256xf32, #tpu.memory_space<hbm>>
      tpu.enqueue_dma source(%arg28 : memref<256xf32, #tpu.memory_space<vmem>>) target(%dma_start3A_45 : memref<256xf32, #tpu.memory_space<hbm>>) target_semaphore(%run_scoped3A : memref<!tpu.dma_semaphore, #tpu.memory_space<semaphore_mem>>)
      %dma_wait3A = tpu.memref_slice %arg10[%mul3A_2] : memref<8192xf32, #tpu.memory_space<hbm>> -> memref<256xf32, #tpu.memory_space<hbm>>
      %dma_wait3A_46 = tpu.memref_slice %arg10[%mul3A_2] : memref<8192xf32, #tpu.memory_space<hbm>> -> memref<256xf32, #tpu.memory_space<hbm>>
      tpu.wait_dma2 semaphore(%run_scoped3A : memref<!tpu.dma_semaphore, #tpu.memory_space<semaphore_mem>>) src(%arg28 : memref<256xf32, #tpu.memory_space<vmem>>) dst(%dma_wait3A_46 : memref<256xf32, #tpu.memory_space<hbm>>)
      tpu.yield
    }) : () -> ()
    return
  }
}

module attributes {stable_mosaic.version = 14 : i64} {
  func.func @_prows_body(%arg0: i32, %arg1: memref<1024x64xf32, #tpu.memory_space<vmem>>, %arg2: memref<1024x8xf32, #tpu.memory_space<vmem>>, %arg3: memref<64x64xf32, #tpu.memory_space<vmem>>, %arg4: memref<8x64xf32, #tpu.memory_space<vmem>>, %arg5: memref<1x64xf32, #tpu.memory_space<vmem>>, %arg6: memref<1024x128xf32, #tpu.memory_space<vmem>>) attributes {dimension_semantics = [#tpu.dimension_semantics<arbitrary>], iteration_bounds = array<i64: 32>, scalar_prefetch = 0 : i64, scratch_operands = 0 : i64, tpu.core_type = #tpu.core_type<tc>, window_params = [{transform_indices = @transform_0, window_bounds = array<i64: 1024, 64>}, {transform_indices = @transform_1, window_bounds = array<i64: 1024, 8>}, {pipeline_mode = #tpu.pipeline_mode<synchronous>, transform_indices = @transform_2, window_bounds = array<i64: 64, 64>}, {pipeline_mode = #tpu.pipeline_mode<synchronous>, transform_indices = @transform_3, window_bounds = array<i64: 8, 64>}, {pipeline_mode = #tpu.pipeline_mode<synchronous>, transform_indices = @transform_4, window_bounds = array<i64: 1, 64>}, {transform_indices = @transform_5, window_bounds = array<i64: 1024, 128>}]} {
    %get3A = arith.constant 0 : index
    %get3A_0 = arith.constant 0 : index
    %get3A_1 = vector.load %arg1[%get3A, %get3A_0] : memref<1024x64xf32, #tpu.memory_space<vmem>>, vector<1024x64xf32>
    %get3A_2 = arith.constant 0 : index
    %get3A_3 = arith.constant 0 : index
    %get3A_4 = vector.load %arg3[%get3A_2, %get3A_3] : memref<64x64xf32, #tpu.memory_space<vmem>>, vector<64x64xf32>
    %dot_general3A = arith.constant dense<0.000000e+00> : vector<1024x64xf32>
    %dot_general3A_5 = tpu.matmul %get3A_1, %get3A_4, %dot_general3A {dimension_numbers = #tpu.dot_dimension_numbers<[1], [0], [0], [1], [0, 0, 1, 1], [], []>, transpose_lhs_hint = false} : vector<1024x64xf32>, vector<64x64xf32>, vector<1024x64xf32> -> vector<1024x64xf32>
    %get3A_6 = arith.constant 0 : index
    %get3A_7 = arith.constant 0 : index
    %get3A_8 = vector.load %arg2[%get3A_6, %get3A_7] : memref<1024x8xf32, #tpu.memory_space<vmem>>, vector<1024x8xf32>
    %get3A_9 = arith.constant 0 : index
    %get3A_10 = arith.constant 0 : index
    %get3A_11 = vector.load %arg4[%get3A_9, %get3A_10] : memref<8x64xf32, #tpu.memory_space<vmem>>, vector<8x64xf32>
    %dot_general3A_12 = arith.constant dense<0.000000e+00> : vector<1024x64xf32>
    %dot_general3A_13 = tpu.matmul %get3A_8, %get3A_11, %dot_general3A_12 {dimension_numbers = #tpu.dot_dimension_numbers<[1], [0], [0], [1], [0, 0, 1, 1], [], []>, transpose_lhs_hint = false} : vector<1024x8xf32>, vector<8x64xf32>, vector<1024x64xf32> -> vector<1024x64xf32>
    %add3A = arith.addf %dot_general3A_5, %dot_general3A_13 : vector<1024x64xf32>
    %get3A_14 = arith.constant 0 : index
    %get3A_15 = arith.constant 0 : index
    %get3A_16 = vector.load %arg5[%get3A_14, %get3A_15] : memref<1x64xf32, #tpu.memory_space<vmem>>, vector<1x64xf32>
    %add3A_17 = vector.broadcast %get3A_16 : vector<1x64xf32> to vector<1024x64xf32>
    %add3A_18 = arith.addf %add3A, %add3A_17 : vector<1024x64xf32>
    %broadcast_in_dim3A = arith.constant 0.000000e+00 : f32
    %broadcast_in_dim3A_19 = vector.broadcast %broadcast_in_dim3A : f32 to vector<1024x64xf32>
    %concatenate3A = tpu.concatenate %add3A_18, %broadcast_in_dim3A_19 in 1 : vector<1024x64xf32>, vector<1024x64xf32> -> vector<1024x128xf32>
    %swap3A = arith.constant 0 : index
    %swap3A_20 = arith.constant 0 : index
    %swap3A_21 = vector.load %arg6[%swap3A, %swap3A_20] : memref<1024x128xf32, #tpu.memory_space<vmem>>, vector<1024x128xf32>
    tpu.vector_store %arg6[%swap3A, %swap3A_20], %concatenate3A {strides = array<i32>} : memref<1024x128xf32, #tpu.memory_space<vmem>>, vector<1024x128xf32>,
    return
  }
  func.func @transform_0(%arg0: i32) -> (i32, i32) {
    %c0_i32 = arith.constant 0 : i32
    %c0_i32_0 = arith.constant 0 : i32
    return %arg0, %c0_i32 : i32, i32
  }
  func.func @transform_1(%arg0: i32) -> (i32, i32) {
    %c0_i32 = arith.constant 0 : i32
    %c0_i32_0 = arith.constant 0 : i32
    return %arg0, %c0_i32 : i32, i32
  }
  func.func @transform_2(%arg0: i32) -> (i32, i32) {
    %c0_i32 = arith.constant 0 : i32
    %c0_i32_0 = arith.constant 0 : i32
    %c0_i32_1 = arith.constant 0 : i32
    return %c0_i32, %c0_i32_0 : i32, i32
  }
  func.func @transform_3(%arg0: i32) -> (i32, i32) {
    %c0_i32 = arith.constant 0 : i32
    %c0_i32_0 = arith.constant 0 : i32
    %c0_i32_1 = arith.constant 0 : i32
    return %c0_i32, %c0_i32_0 : i32, i32
  }
  func.func @transform_4(%arg0: i32) -> (i32, i32) {
    %c0_i32 = arith.constant 0 : i32
    %c0_i32_0 = arith.constant 0 : i32
    %c0_i32_1 = arith.constant 0 : i32
    return %c0_i32, %c0_i32_0 : i32, i32
  }
  func.func @transform_5(%arg0: i32) -> (i32, i32) {
    %c0_i32 = arith.constant 0 : i32
    %c0_i32_0 = arith.constant 0 : i32
    return %arg0, %c0_i32 : i32, i32
  }
}

module attributes {stable_mosaic.version = 14 : i64} {
  func.func @_epilogue_body(%arg0: i32, %arg1: memref<512x64xf32, #tpu.memory_space<vmem>>, %arg2: memref<512x8xf32, #tpu.memory_space<vmem>>, %arg3: memref<512x1xf32, #tpu.memory_space<vmem>>, %arg4: memref<8x64xf32, #tpu.memory_space<vmem>>, %arg5: memref<64x128xf32, #tpu.memory_space<vmem>>, %arg6: memref<1x64xf32, #tpu.memory_space<vmem>>, %arg7: memref<1x128xf32, #tpu.memory_space<vmem>>, %arg8: memref<1x128xf32, #tpu.memory_space<vmem>>, %arg9: memref<512x128xf32, #tpu.memory_space<vmem>>) attributes {dimension_semantics = [#tpu.dimension_semantics<arbitrary>], iteration_bounds = array<i64: 16>, scalar_prefetch = 0 : i64, scratch_operands = 0 : i64, tpu.core_type = #tpu.core_type<tc>, window_params = [{transform_indices = @transform_0, window_bounds = array<i64: 512, 64>}, {transform_indices = @transform_1, window_bounds = array<i64: 512, 8>}, {transform_indices = @transform_2, window_bounds = array<i64: 512, 1>}, {pipeline_mode = #tpu.pipeline_mode<synchronous>, transform_indices = @transform_3, window_bounds = array<i64: 8, 64>}, {pipeline_mode = #tpu.pipeline_mode<synchronous>, transform_indices = @transform_4, window_bounds = array<i64: 64, 128>}, {pipeline_mode = #tpu.pipeline_mode<synchronous>, transform_indices = @transform_5, window_bounds = array<i64: 1, 64>}, {pipeline_mode = #tpu.pipeline_mode<synchronous>, transform_indices = @transform_6, window_bounds = array<i64: 1, 128>}, {pipeline_mode = #tpu.pipeline_mode<synchronous>, transform_indices = @transform_7, window_bounds = array<i64: 1, 128>}, {transform_indices = @transform_8, window_bounds = array<i64: 512, 128>}]} {
    %get3A = arith.constant 0 : index
    %get3A_0 = arith.constant 0 : index
    %get3A_1 = vector.load %arg6[%get3A, %get3A_0] : memref<1x64xf32, #tpu.memory_space<vmem>>, vector<1x64xf32>
    %get3A_2 = arith.constant 0 : index
    %get3A_3 = arith.constant 0 : index
    %get3A_4 = vector.load %arg2[%get3A_2, %get3A_3] : memref<512x8xf32, #tpu.memory_space<vmem>>, vector<512x8xf32>
    %get3A_5 = arith.constant 0 : index
    %get3A_6 = arith.constant 0 : index
    %get3A_7 = vector.load %arg4[%get3A_5, %get3A_6] : memref<8x64xf32, #tpu.memory_space<vmem>>, vector<8x64xf32>
    %dot_general3A = arith.constant dense<0.000000e+00> : vector<512x64xf32>
    %dot_general3A_8 = tpu.matmul %get3A_4, %get3A_7, %dot_general3A {dimension_numbers = #tpu.dot_dimension_numbers<[1], [0], [0], [1], [0, 0, 1, 1], [], []>, transpose_lhs_hint = false} : vector<512x8xf32>, vector<8x64xf32>, vector<512x64xf32> -> vector<512x64xf32>
    %sub3A = vector.broadcast %get3A_1 : vector<1x64xf32> to vector<512x64xf32>
    %sub3A_9 = arith.subf %sub3A, %dot_general3A_8 : vector<512x64xf32>
    %get3A_10 = arith.constant 0 : index
    %get3A_11 = arith.constant 0 : index
    %get3A_12 = vector.load %arg1[%get3A_10, %get3A_11] : memref<512x64xf32, #tpu.memory_space<vmem>>, vector<512x64xf32>
    %add3A = arith.addf %get3A_12, %sub3A_9 : vector<512x64xf32>
    %max3A = arith.constant 0.000000e+00 : f32
    %max3A_13 = vector.broadcast %max3A : f32 to vector<512x64xf32>
    %max3A_14 = arith.maximumf %add3A, %max3A_13 : vector<512x64xf32>
    %get3A_15 = arith.constant 0 : index
    %get3A_16 = arith.constant 0 : index
    %get3A_17 = vector.load %arg5[%get3A_15, %get3A_16] : memref<64x128xf32, #tpu.memory_space<vmem>>, vector<64x128xf32>
    %dot_general3A_18 = arith.constant dense<0.000000e+00> : vector<512x128xf32>
    %dot_general3A_19 = tpu.matmul %max3A_14, %get3A_17, %dot_general3A_18 {dimension_numbers = #tpu.dot_dimension_numbers<[1], [0], [0], [1], [0, 0, 1, 1], [], []>, transpose_lhs_hint = false} : vector<512x64xf32>, vector<64x128xf32>, vector<512x128xf32> -> vector<512x128xf32>
    %get3A_20 = arith.constant 0 : index
    %get3A_21 = arith.constant 0 : index
    %get3A_22 = vector.load %arg7[%get3A_20, %get3A_21] : memref<1x128xf32, #tpu.memory_space<vmem>>, vector<1x128xf32>
    %mul3A = vector.broadcast %get3A_22 : vector<1x128xf32> to vector<512x128xf32>
    %mul3A_23 = arith.mulf %dot_general3A_19, %mul3A : vector<512x128xf32>
    %get3A_24 = arith.constant 0 : index
    %get3A_25 = arith.constant 0 : index
    %get3A_26 = vector.load %arg8[%get3A_24, %get3A_25] : memref<1x128xf32, #tpu.memory_space<vmem>>, vector<1x128xf32>
    %add3A_27 = vector.broadcast %get3A_26 : vector<1x128xf32> to vector<512x128xf32>
    %add3A_28 = arith.addf %mul3A_23, %add3A_27 : vector<512x128xf32>
    %max3A_29 = arith.constant 0.000000e+00 : f32
    %max3A_30 = vector.broadcast %max3A_29 : f32 to vector<512x128xf32>
    %max3A_31 = arith.maximumf %add3A_28, %max3A_30 : vector<512x128xf32>
    %get3A_32 = arith.constant 0 : index
    %get3A_33 = arith.constant 0 : index
    %get3A_34 = vector.load %arg3[%get3A_32, %get3A_33] : memref<512x1xf32, #tpu.memory_space<vmem>>, vector<512x1xf32>
    %mul3A_35 = vector.broadcast %get3A_34 : vector<512x1xf32> to vector<512x128xf32>
    %mul3A_36 = arith.mulf %max3A_31, %mul3A_35 : vector<512x128xf32>
    %swap3A = arith.constant 0 : index
    %swap3A_37 = arith.constant 0 : index
    %swap3A_38 = vector.load %arg9[%swap3A, %swap3A_37] : memref<512x128xf32, #tpu.memory_space<vmem>>, vector<512x128xf32>
    tpu.vector_store %arg9[%swap3A, %swap3A_37], %mul3A_36 {strides = array<i32>} : memref<512x128xf32, #tpu.memory_space<vmem>>, vector<512x128xf32>,
    return
  }
  func.func @transform_0(%arg0: i32) -> (i32, i32) {
    %c0_i32 = arith.constant 0 : i32
    %c0_i32_0 = arith.constant 0 : i32
    return %arg0, %c0_i32 : i32, i32
  }
  func.func @transform_1(%arg0: i32) -> (i32, i32) {
    %c0_i32 = arith.constant 0 : i32
    %c0_i32_0 = arith.constant 0 : i32
    return %arg0, %c0_i32 : i32, i32
  }
  func.func @transform_2(%arg0: i32) -> (i32, i32) {
    %c0_i32 = arith.constant 0 : i32
    %c0_i32_0 = arith.constant 0 : i32
    return %arg0, %c0_i32 : i32, i32
  }
  func.func @transform_3(%arg0: i32) -> (i32, i32) {
    %c0_i32 = arith.constant 0 : i32
    %c0_i32_0 = arith.constant 0 : i32
    %c0_i32_1 = arith.constant 0 : i32
    return %c0_i32, %c0_i32_0 : i32, i32
  }
  func.func @transform_4(%arg0: i32) -> (i32, i32) {
    %c0_i32 = arith.constant 0 : i32
    %c0_i32_0 = arith.constant 0 : i32
    %c0_i32_1 = arith.constant 0 : i32
    return %c0_i32, %c0_i32_0 : i32, i32
  }
  func.func @transform_5(%arg0: i32) -> (i32, i32) {
    %c0_i32 = arith.constant 0 : i32
    %c0_i32_0 = arith.constant 0 : i32
    %c0_i32_1 = arith.constant 0 : i32
    return %c0_i32, %c0_i32_0 : i32, i32
  }
  func.func @transform_6(%arg0: i32) -> (i32, i32) {
    %c0_i32 = arith.constant 0 : i32
    %c0_i32_0 = arith.constant 0 : i32
    %c0_i32_1 = arith.constant 0 : i32
    return %c0_i32, %c0_i32_0 : i32, i32
  }
  func.func @transform_7(%arg0: i32) -> (i32, i32) {
    %c0_i32 = arith.constant 0 : i32
    %c0_i32_0 = arith.constant 0 : i32
    %c0_i32_1 = arith.constant 0 : i32
    return %c0_i32, %c0_i32_0 : i32, i32
  }
  func.func @transform_8(%arg0: i32) -> (i32, i32) {
    %c0_i32 = arith.constant 0 : i32
    %c0_i32_0 = arith.constant 0 : i32
    return %arg0, %c0_i32 : i32, i32
  }
}

</mosaic_0001>

<sc_bundles>
// kernel: kernel.5.cloned.1.call-start
scs
__scs_entry_jumppad:
0x0: {  	(pc) =	sbr.rel $0x88, $3  }
0x1: {  	(tag) =	ssettag $0x0;
	lr =	simm.s32 $0x1  }
0x2: {  	[smem:$0x3F8F] =	sst lr;
	_ =	strace $0xD0000000  }
0x3: {  	_ = 	snop  }
0x4: {  	_ = 	snop  }
0x5: {  	_ = 	snop  }
0x6: {  	_ = 	snop  }
0x7: {  	_ = 	snop  }
__scs_overlays_trampoline_lowered:
0x8: {  	[smem:$0x3F9E] =	sst s0  }
0x9: {  	[smem:$0x3F9F] =	sst s1  }
0xa: {  	[smem:$0x3FA0] =	sst s2  }
0xb: {  	[smem:$0x3FA1] =	sst s3  }
0xc: {  	[smem:$0x3FA2] =	sst s4  }
0xd: {  	[smem:$0x3FA3] =	sst s5  }
0xe: {  	[smem:$0x3FA4] =	sst s6  }
0xf: {  	[smem:$0x3FA5] =	sst s7  }
0x10: {  	[smem:$0x3FA6] =	sst s8  }
0x11: {  	[smem:$0x3FA7] =	sst s9;
	s0 =	simm.s32 @!p0 $0x0  }
0x12: {  	s1 =	sld [smem:$0x3F8D];
	s0 =	simm.s32 @p0 $0x1  }
0x13: {  	[smem:$0x3FA8] =	sst s0;
	s0 =	simm.s32 @!p1 $0x0  }
0x14: {  	s2 =	sld [smem:$0x3F8C];
	s0 =	simm.s32 @p1 $0x1  }
0x15: {  	[smem:$0x3FA9] =	sst s0;
	s0 =	simm.s32 @!p2 $0x0  }
0x16: {  	s3 =	sld [smem:$0x3FDB];
	s0 =	simm.s32 @p2 $0x1  }
0x17: {  	s4 =	simm.s32 $0x1BF5;
	[smem:$0x3FAB] =	sst s0  }
0x18: {  	s0 =	sld [smem:$0x3F8E];
	_ =	swait.ge [sflag:s4], $0x0  }
0x19: {  	s7 =	sld [smem:$0x3F8F]  }
0x1a: {  	s8 =	sadd.s32 $0xFFFFE003, lr  }
0x1b: {  	s9 =	sadd.s32 $0xFFFFFEF7, lr;
	s5 =	simm.s32 $0xFFFFFFFF;
	p2 =	slt.u32 s8, $0xFFFFF086  }
0x1c: {  	p1 =	slt.u32 s9, $0xF7A;
	s5 =	simm.s32 @!p2 $0x0  }
0x1d: {  	s5 =	simm.s32 @p1 $0x1;
	p0 =	seq.s32 s7, s2  }
0x1e: {  	s7 =	smul.u32 @!p0 $0xF7A, s2;
	p2 =	seq.s32 @!p0 s5, $0x0  }
0x1f: {  	s9 =	smul.u32 $0xF7A, s1;
	s8 =	simm.s32 @!p0 $0x1BF5;
	p2 =	por !p2, p0  }
0x20: {  	[sflag:s8] =	ssyncset.s32 @!p0 $0xFFFFF086;
	s6 =	sadd.s32 @!p0 s3, s7;
	s7 =	simm.s32 @!p0 $0x108  }
0x21: {  	s3 =	sadd.s32 s3, s9;
	s6 =	sadd.s32 @!p0 $0x88, s6;
	s7 =	simm.s32 @p2 $0x1082  }
0x22: {  	[simem:s7], [sflag:s8] =	dma.local @!p0 [hbm:s6], $0xF7A  }
0x23: {  	s9 =	sor.u32 $0xD0000000, s2;
	s6 =	simm.s32 $0x108;
	_ =	swait.ge @!p0 [sflag:s8], $0x0  }
0x24: {  	s3 =	sadd.s32 $0x88, s3;
	s6 =	simm.s32 @!p1 $0x1082;
	[sflag:s4] =	ssyncset.s32 $0xFFFFF086  }
0x25: {  	[simem:s6], [sflag:s4] =	dma.local [hbm:s3], $0xF7A  }
0x26: {  	[smem:$0x3F8F] =	sst s1;
	(tag) =	ssettag s2;
	_ =	strace s9  }
0x27: {  	s1 =	sld [smem:$0x3F9F]  }
0x28: {  	s2 =	sld [smem:$0x3FA0]  }
0x29: {  	s4 =	sld [smem:$0x3FA2]  }
0x2a: {  	p0 =	seq.s32 s5, $0x0;
	s5 =	sld [smem:$0x3FA3]  }
0x2b: {  	s6 =	sld [smem:$0x3FA4]  }
0x2c: {  	s7 =	sld [smem:$0x3FA5]  }
0x2d: {  	s3 =	simm.s32 $0x108;
	s8 =	sld [smem:$0x3FA6]  }
0x2e: {  	s3 =	simm.s32 @!p0 $0x1082;
	s9 =	sld [smem:$0x3FA7]  }
0x2f: {  	lr =	sadd.s32 s0, s3;
	s0 =	sld [smem:$0x3F9E]  }
0x30: {  	s3 =	sld [smem:$0x3FA1]  }
0x31: {  	[smem:$0x3FAA] =	sst s10  }
0x32: {  	s10 =	sld [smem:$0x3FA8];
	_ =	sdelay $0x3  }
0x33: {  	p0 =	seq.s32 s10, $0x1;
	s10 =	sld [smem:$0x3FAA];
	_ =	sdelay $0x3  }
0x34: {  	[smem:$0x3FAA] =	sst s10  }
0x35: {  	s10 =	sld [smem:$0x3FA9];
	_ =	sdelay $0x3  }
0x36: {  	p1 =	seq.s32 s10, $0x1;
	s10 =	sld [smem:$0x3FAA];
	_ =	sdelay $0x3  }
0x37: {  	[smem:$0x3FAA] =	sst s10  }
0x38: {  	s10 =	sld [smem:$0x3FAB]  }
0x39: {  	_ = 	snop;
	(pc) =	sbr.ind lr, $3  }
0x3a: {  	_ = 	snop  }
0x3b: {  	_ = 	snop  }
0x3c: {  	p2 =	seq.s32 s10, $0x1;
	s10 =	sld [smem:$0x3FAA]  }
0x3d: {  	_ =	shalt  }
0x3e: {  	_ =	shalt  }
0x3f: {  	_ =	shalt  }
0x40: {  	_ =	shalt  }
0x41: {  	_ =	shalt  }
0x42: {  	_ =	shalt  }
0x43: {  	_ =	shalt  }
0x44: {  	_ =	shalt  }
0x45: {  	_ =	shalt  }
0x46: {  	_ =	shalt  }
0x47: {  	_ =	shalt  }
0x48: {  	_ =	shalt  }
0x49: {  	_ =	shalt  }
0x4a: {  	_ =	shalt  }
0x4b: {  	_ =	shalt  }
0x4c: {  	_ =	shalt  }
0x4d: {  	_ =	shalt  }
0x4e: {  	_ =	shalt  }
0x4f: {  	_ =	shalt  }
0x50: {  	_ =	shalt  }
0x51: {  	_ =	shalt  }
0x52: {  	_ =	shalt  }
0x53: {  	_ =	shalt  }
0x54: {  	_ =	shalt  }
0x55: {  	_ =	shalt  }
0x56: {  	_ =	shalt  }
0x57: {  	_ =	shalt  }
0x58: {  	_ =	shalt  }
0x59: {  	_ =	shalt  }
0x5a: {  	_ =	shalt  }
0x5b: {  	_ =	shalt  }
0x5c: {  	_ =	shalt  }
0x5d: {  	_ =	shalt  }
0x5e: {  	_ =	shalt  }
0x5f: {  	_ =	shalt  }
0x60: {  	_ =	shalt  }
0x61: {  	_ =	shalt  }
0x62: {  	_ =	shalt  }
0x63: {  	_ =	shalt  }
0x64: {  	_ =	shalt  }
0x65: {  	_ =	shalt  }
0x66: {  	_ =	shalt  }
0x67: {  	_ =	shalt  }
0x68: {  	_ =	shalt  }
0x69: {  	_ =	shalt  }
0x6a: {  	_ =	shalt  }
0x6b: {  	_ =	shalt  }
0x6c: {  	_ =	shalt  }
0x6d: {  	_ =	shalt  }
0x6e: {  	_ =	shalt  }
0x6f: {  	_ =	shalt  }
0x70: {  	_ =	shalt  }
0x71: {  	_ =	shalt  }
0x72: {  	_ =	shalt  }
0x73: {  	_ =	shalt  }
0x74: {  	_ =	shalt  }
0x75: {  	_ =	shalt  }
0x76: {  	_ =	shalt  }
0x77: {  	_ =	shalt  }
0x78: {  	_ =	shalt  }
0x79: {  	_ =	shalt  }
0x7a: {  	_ =	shalt  }
0x7b: {  	_ =	shalt  }
0x7c: {  	_ =	shalt  }
0x7d: {  	_ =	shalt  }
0x7e: {  	_ =	shalt  }
0x7f: {  	_ =	shalt  }
0x80: {  	_ =	shalt  }
0x81: {  	_ =	shalt  }
0x82: {  	_ =	shalt  }
0x83: {  	_ =	shalt  }
0x84: {  	_ =	shalt  }
0x85: {  	_ =	shalt  }
0x86: {  	_ =	shalt  }
0x87: {  	_ =	shalt  }
.Lfunc_end0:
.L_simem_size_0:
called_computation_lowered:
.L_overlay_start_0:
0x88: {  	s2 =	sld [smem:$0x3FD9]  }
0x89: {  	s3 =	sld [smem:$0x3FFE];
	_ =	sdelay $0x1  }
0x8a: {  	s1 =	srdreg.scid  }
0x8b: {  	s0 =	sand.u32 $0x1, s1  }
0x8c: {  	s17 =	sshll.u32 s0, $0xA;
	s2 =	sadd.s32 s3, s2  }
0x8d: {  	s2 =	sadd.s32 s2, s17  }
0x8e: {  	[smem:$0x3FB6] =	sst s2  }
0x8f: {  	_ = 	snop  }
0x90: {  	s2 =	sld [smem:$0x3FD0];
	(tm) =	ssettm $0x1  }
0x91: {  	s18 =	sld [smem:$0x3FFB];
	_ =	sdelay $0x3  }
0x92: {  	_ =	strace s18  }
0x93: {  	s3 =	sld [smem:$0x3FFC];
	_ =	sdelay $0x3  }
0x94: {  	_ =	strace s3  }
0x95: {  	s3 =	sld [smem:$0x3FFD];
	_ =	sdelay $0x3  }
0x96: {  	_ =	strace s3  }
0x97: {  	_ =	strace $0x8FFFFFFF  }
0x98: {  	s19 =	sld [smem:$0x3FDB];
	_ =	sdelay $0x1  }
0x99: {  	s4 =	simm.s32 $_scs_section_size  }
0x9a: {  	s5 =	simm.s32 $_size__tile_overlayer_lowered;
	s6 =	simm.s32 $_tile_overlayer_lowered  }
0x9b: {  	s22 =	simm.s32 $0x1BFF;
	s21 =	sshll.u32 s6, $0x1;
	s3 =	sadd.s32 s4, s19  }
0x9c: {  	s7 =	simm.s32 $0x0;
	s20 =	sshll.u32 s5, $0x1;
	s5 =	sadd.s32 s21, s3  }
0x9d: {  	[timem:s7], [sflag:s22] =	dma.local [hbm:s5], s20  }
0x9e: {  	_ =	swait.ge [sflag:s22], s20  }
0x9f: {  	s4 =	ssub.s32 $0x0, s20;
	[sflag:s22] =	ssyncset.done $0x0  }
0xa0: {  	[sflag:s22] =	ssyncadd.s32 s4;
	_ =	sdelay $0x1  }
0xa1: {  	s23 =	simm.s32 $0x1B8B  }
0xa2: {  	_ =	swait.ge [sflag:s23], $0x1  }
0xa3: {  	[sflag:s23] =	ssyncset.done $0x0  }
0xa4: {  	s25 =	simm.s32 $0x1B8E;
	s24 =	sld [smem:$0x3FFE];
	[sflag:s23] =	ssyncadd.s32 $0xFFFFFFFF  }
0xa5: {  	s26 =	simm.s32 $execute0_lowered;
	[smem:$0x3FD2] =	sst s25  }
0xa6: {  	s5 =	sshll.u32 s26, $0x1;
	_ =	strace $0x80000046;
	[dreg:$0x1] =	wrdreg $0xFFFFFFFF  }
0xa7: {  	s28 =	simm.s32 $_size_execute0_lowered;
	s3 =	sadd.s32 s3, s5;
	[dreg:$0x0] =	wrdreg $0x0  }
0xa8: {  	s5 =	sshll.u32 s28, $0x1;
	[dreg:$0x2] =	wrdreg s3  }
0xa9: {  	[dreg:$0x3] =	wrdreg s5  }
0xaa: {  	[dreg:$0x4] =	wrdreg $0xC0  }
0xab: {  	_ =	task [dreg:s7], $0x5FFFF  }
0xac: {  	[dreg:$0x1] =	wrdreg $0xFFFFFFFF  }
0xad: {  	[dreg:$0x0] =	wrdreg $0x60  }
0xae: {  	[dreg:$0x2] =	wrdreg s24  }
0xaf: {  	[dreg:$0x3] =	wrdreg s2  }
0xb0: {  	[dreg:$0x4] =	wrdreg $0x9  }
0xb1: {  	_ =	task.clear_ibuf [dreg:s7], $0x5FFFF;
	_ =	strace $0x90000046  }
0xb2: {  	s29 =	simm.s32 $0x9;
	_ =	strace $0x80000048  }
0xb3: {  	_ =	swait.ge [sflag:s29], $0x1  }
0xb4: {  	[sflag:s29] =	ssyncadd.s32 $0xFFFFFFFF  }
0xb5: {  	_ =	strace $0x90000048  }
0xb6: {  	_ =	sfence  }
0xb7: {  	s30 =	sld [smem:$0x0];
	_ =	sdelay $0x2  }
0xb8: {  	s31 =	sshll.u32 s1, $0xD;
	s1 =	sshrl.u32 s1, $0x2  }
0xb9: {  	s3 =	sand.u32 $0x4000, s31;
	s1 =	sadd.s32 s1, s30  }
0xba: {  	s0 =	sor.u32 s3, s0;
	s1 =	sshll.u32 s1, $0x11  }
0xbb: {  	s0 =	sor.u32 s1, s0  }
0xbc: {  	s0 =	sadd.s32 $0x8F2B, s0  }
0xbd: {  	[sflag:s0] =	ssyncadd.remote.s32 $0x1  }
0xbe: {  	_ =	sfence.sel $0xFFFF  }
0xbf: {  	[dreg:$0x0] =	wrdreg $0xFFFFFFFF;
	(pc) =	sbr.abs _section_cstart, $3  }
0xc0: {  	[dreg:$0x1] =	wrdreg $0xFFFFFFFF  }
0xc1: {  	_ =	task.clear_ibuf [dreg:s7], $0x2FFFF;
	_ =	strace $0x9FFFFFFF  }
0xc2: {  	(tm) =	ssettm $0x7FFFFFFF  }
0xc3: {  	_ =	shalt  }
tec
execute0_lowered:
.L_overlay_start_1:
0x0: {  	(tag) =	ssettag $0x1  }
0x1: {  	s0 =	rddreg [dreg:$0x0]  }
0x2: {  	s1 =	rddreg [dreg:$0x1];
	s9 =	simm.s32 $0x0;
	s5 =	stileid.u32  }
0x3: {  	s4 =	srdreg.scid;
	s28 =	simm.s32 $0xA600;
	s29 =	simm.s32 $0x8580  }
0x4: {  	s30 =	simm.s32 $0xB600;
	s31 =	simm.s32 $0x1;
	s15 =	simm.s32 $0x3  }
0x5: {  	s16 =	simm.s32 $0x4;
	[smem:$0x7FF] =	sst s9;
	s2 =	sshll.u32 s5, $0xB  }
0x6: {  	s17 =	sand.u32 $0x1, s4;
	s18 =	sshll.u32 s5, $0x1;
	s4 =	sadd.s32 $0x5800, s0  }
0x7: {  	_ =	strace $0x80000047;
	s3 =	sand.u32 $0x6000, s2;
	s6 =	sor.u32 s17, s18  }
0x8: {  	s2 =	ssub.s32 $0x2, s17;
	s19 =	sshrl.u32 s3, $0x3;
	s24 =	sshll.u32 s6, $0xB  }
0x9: {  	s17 =	simm.s32 $0x8000;
	s5 =	sadd.s32 s19, s0;
	s1 =	sadd.s32 s1, s24  }
0xa: {  	s18 =	simm.s32 $0x8100;
	s20 =	sadd.s32 $0x3C00, s5;
	[dreg:$0x9] =	wrdreg s1  }
0xb: {  	s7 =	sshll.u32 s6, $0x5;
	s21 =	sadd.s32 $0x2C00, s5;
	[dreg:$0x3] =	wrdreg s20  }
0xc: {  	s0 =	sadd.s32 s7, s0;
	s5 =	sadd.s32 $0x1C00, s5;
	[dreg:$0x4] =	wrdreg s21  }
0xd: {  	s8 =	sshrl.u32 s2, $0x1;
	s22 =	sadd.s32 $0x5400, s0;
	[dreg:$0x5] =	wrdreg s5  }
0xe: {  	s6 =	simm.s32 $0x0;
	s23 =	sadd.s32 $0x5000, s0;
	[dreg:$0x6] =	wrdreg s22  }
0xf: {  	s2 =	ssub.s32 s2, s8;
	s25 =	sadd.s32 $0x4C00, s0;
	[dreg:$0x7] =	wrdreg s23  }
0x10: {  	s19 =	simm.s32 $0x8200;
	s0 =	sadd.s32 $0x85800, s0;
	[dreg:$0x8] =	wrdreg s25  }
0x11: {  	s24 =	simm.s32 $0x8480;
	s26 =	smax.u32 s2, $0x1;
	[dreg:$0xa] =	wrdreg s0  }
0x12: {  	s1 =	simm.s32 $0x2;
	[dreg:$0xb] =	wrdreg s26;
	s5 =	simm.s32 $0x5  }
0x13: {  	v0 =	vlaneseq.u32;
	s20 =	simm.s32 $0x8300;
	s21 =	simm.s32 $0x20;
	s23 =	simm.s32 $0x8600  }
0x14: {  	vm0 =	vmmov $0x1;
	v2 =	vimm.f32 $1.000000000e+00;
	v1 =	vor.u32 $0x10, v0;
	s25 =	simm.s32 $0x9600;
	s26 =	simm.s32 $0x8500;
	s0 =	simm.s32 $0x10600  }
.LBB2_1:
0x15: {  	[dreg:$0xc] =	wrdreg s6  }
0x16: {  	s2 =	rddreg [dreg:$0x3]  }
0x17: {  	[tilespmem:s9], [sflag:$0x5] =	stream.linear.gather [hbm4b:s2+s9], $0x2000, $0x38;
	[tilespmem:$0x10700] =	vst v63  }
0x18: {  	_ =	swait.ge [sflag:s5], $0x2000  }
0x19: {  	[sflag:s5] =	ssyncset.done $0x0  }
0x1a: {  	s10 =	simm.s32 $0x2000;
	s8 =	rddreg [dreg:$0x4];
	[sflag:s5] =	ssyncadd.s32 $0xFFFFE000  }
0x1b: {  	[tilespmem:s10], [sflag:$0x5] =	stream.linear.gather [hbm4b:s8+s9], $0x2000, $0x38;
	[tilespmem:$0x10700] =	vst v63  }
0x1c: {  	_ =	swait.ge [sflag:s5], $0x2000  }
0x1d: {  	[sflag:s5] =	ssyncset.done $0x0  }
0x1e: {  	s12 =	simm.s32 $0x4000;
	s11 =	rddreg [dreg:$0x5];
	[sflag:s5] =	ssyncadd.s32 $0xFFFFE000  }
0x1f: {  	[tilespmem:s12], [sflag:$0x5] =	stream.linear.gather [hbm4b:s11+s9], $0x2000, $0x38;
	[tilespmem:$0x10700] =	vst v63  }
0x20: {  	_ =	swait.ge [sflag:s5], $0x2000  }
0x21: {  	[sflag:s5] =	ssyncset.done $0x0  }
0x22: {  	s13 =	rddreg [dreg:$0x6];
	[sflag:s5] =	ssyncadd.s32 $0xFFFFE000  }
0x23: {  	[tilespmem:s17], [sflag:$0x5] =	stream.linear.gather [hbm4b:s13+s9], $0x100, $0x38;
	[tilespmem:$0x10700] =	vst v63  }
0x24: {  	_ =	swait.ge [sflag:s5], $0x100  }
0x25: {  	[sflag:s5] =	ssyncset.done $0x0  }
0x26: {  	s14 =	rddreg [dreg:$0x7];
	[sflag:s5] =	ssyncadd.s32 $0xFFFFFF00  }
0x27: {  	[tilespmem:s18], [sflag:$0x5] =	stream.linear.gather [hbm4b:s14+s9], $0x100, $0x38;
	[tilespmem:$0x10700] =	vst v63  }
0x28: {  	_ =	swait.ge [sflag:s5], $0x100  }
0x29: {  	[sflag:s5] =	ssyncset.done $0x0  }
0x2a: {  	s22 =	rddreg [dreg:$0x8];
	[sflag:s5] =	ssyncadd.s32 $0xFFFFFF00  }
0x2b: {  	[tilespmem:s19], [sflag:$0x5] =	stream.linear.gather [hbm4b:s22+s9], $0x100, $0x38;
	[tilespmem:$0x10700] =	vst v63  }
0x2c: {  	_ =	swait.ge [sflag:s5], $0x100  }
0x2d: {  	[sflag:s5] =	ssyncset.done $0x0  }
0x2e: {  	s6 =	simm.s32 $0x0;
	[sflag:s5] =	ssyncadd.s32 $0xFFFFFF00  }
0x2f: {  	v3 =	vld [tilespmem:s6+$0x0];
	_ =	sdelay $0x1  }
0x30: {  	v4 =	vld [tilespmem:s6+$0x2000]  }
0x31: {  	v5 =	vld [tilespmem:s6+$0x4000];
	_ =	sdelay $0x1  }
0x32: {  	v6 =	vshrl.u32 v3, $0x10  }
0x33: {  	v6 =	vand.u32 $0x1, v6  }
0x34: {  	v7 =	vmul.f32 v3, v3;
	v8 =	vshrl.u32 v4, $0x10;
	v3 =	vadd.s32 v6, v3  }
0x35: {  	v6 =	vand.u32 $0x1, v8;
	v8 =	vshrl.u32 v5, $0x10;
	v3 =	vadd.s32 $0x7FFF, v3  }
0x36: {  	v6 =	vadd.s32 v6, v4;
	v8 =	vand.u32 $0x1, v8;
	v4 =	vmul.f32 v4, v4  }
0x37: {  	v3 =	vand.u32 $0xFFFF0000, v3;
	v6 =	vadd.s32 $0x7FFF, v6;
	v8 =	vadd.s32 v8, v5  }
0x38: {  	s7 =	simm.s32 $0x10;
	[tilespmem:s6+$0x0] =	vst v3;
	v6 =	vand.u32 $0xFFFF0000, v6;
	v8 =	vadd.s32 $0x7FFF, v8  }
0x39: {  	s2 =	simm.s32 $0x80;
	v5 =	vmul.f32 v5, v5;
	v4 =	vadd.f32 v4, v7;
	v3 =	vld [tilespmem:s7+$0x0];
	[tilespmem:s6+$0x2000] =	vst v6;
	v6 =	vand.u32 $0xFFFF0000, v8  }
.LBB2_2:
0x3a: {  	p0 =	sne.s32 s2, $0x7FC0;
	v7 =	vld [tilespmem:s7+$0x2000];
	[tilespmem:s6+$0x4000] =	vst v6  }
0x3b: {  	v6 =	vld [tilespmem:s7+$0x4000];
	v4 =	vadd.f32 v5, v4;
	_ =	sdelay $0x1  }
0x3c: {  	[tilespmem:s6+$0x6000] =	vst v4;
	s6 =	smov.u32 s7  }
0x3d: {  	v4 =	vmul.f32 v3, v3;
	v5 =	vshrl.u32 v3, $0x10  }
0x3e: {  	v8 =	vmul.f32 v7, v7;
	v5 =	vand.u32 $0x1, v5;
	v9 =	vshrl.u32 v7, $0x10  }
.Ltmp0:
0x3f: {  	v3 =	vadd.s32 v5, v3;
	v5 =	vand.u32 $0x1, v9;
	v9 =	vshrl.u32 v6, $0x10;
	(pc) =	sbr.rel @p0 .LBB2_2-.Ltmp0, $4  }
0x40: {  	v3 =	vadd.s32 $0x7FFF, v3;
	v5 =	vadd.s32 v5, v7;
	v7 =	vand.u32 $0x1, v9  }
0x41: {  	v3 =	vand.u32 $0xFFFF0000, v3;
	v5 =	vadd.s32 $0x7FFF, v5;
	v7 =	vadd.s32 v7, v6  }
0x42: {  	s7 =	sshra.s32 s2, $0x2;
	v4 =	vadd.f32 v8, v4;
	[tilespmem:s6+$0x0] =	vst v3;
	v8 =	vand.u32 $0xFFFF0000, v5;
	v7 =	vadd.s32 $0x7FFF, v7  }
0x43: {  	s2 =	sadd.s32 $0x40, s2;
	v5 =	vmul.f32 v6, v6;
	v3 =	vld [tilespmem:s7+$0x0];
	[tilespmem:s6+$0x2000] =	vst v8;
	v6 =	vand.u32 $0xFFFF0000, v7  }
0x44: {  	v7 =	vld [tilespmem:s7+$0x2000]  }
0x45: {  	[tilespmem:s6+$0x4000] =	vst v6  }
0x46: {  	v6 =	vld [tilespmem:s7+$0x4000];
	_ =	sdelay $0x1  }
0x47: {  	v4 =	vadd.f32 v5, v4;
	v5 =	vshrl.u32 v3, $0x10  }
0x48: {  	v8 =	vmul.f32 v3, v3;
	v5 =	vand.u32 $0x1, v5;
	v9 =	vshrl.u32 v7, $0x10  }
0x49: {  	v3 =	vadd.s32 v5, v3;
	v5 =	vmul.f32 v7, v7;
	v9 =	vand.u32 $0x1, v9  }
0x4a: {  	v63 =	vshrl.u32 v6, $0x10;
	v7 =	vadd.s32 v9, v7;
	v3 =	vadd.s32 $0x7FFF, v3  }
0x4b: {  	v9 =	vand.u32 $0x1, v63;
	v3 =	vand.u32 $0xFFFF0000, v3;
	v7 =	vadd.s32 $0x7FFF, v7  }
0x4c: {  	[tilespmem:s6+$0x6000] =	vst v4;
	v4 =	vadd.s32 v9, v6;
	v5 =	vadd.f32 v5, v8;
	v6 =	vmul.f32 v6, v6  }
0x4d: {  	[tilespmem:s7+$0x0] =	vst v3;
	v3 =	vand.u32 $0xFFFF0000, v7;
	v4 =	vadd.s32 $0x7FFF, v4  }
0x4e: {  	[tilespmem:s7+$0x2000] =	vst v3;
	v3 =	vand.u32 $0xFFFF0000, v4;
	v4 =	vadd.f32 v6, v5  }
0x4f: {  	[tilespmem:s7+$0x4000] =	vst v3  }
0x50: {  	[tilespmem:s7+$0x6000] =	vst v4;
	s7 =	simm.s32 $0x0  }
0x51: {  	v3 =	vld [tilespmem:s7+$0x8000];
	_ =	sdelay $0x1  }
0x52: {  	v4 =	vld [tilespmem:s7+$0x8100]  }
0x53: {  	v5 =	vld [tilespmem:s7+$0x8200];
	_ =	sdelay $0x1  }
0x54: {  	v6 =	vshrl.u32 v3, $0x10  }
0x55: {  	v6 =	vand.u32 $0x1, v6  }
0x56: {  	v7 =	vmul.f32 v3, v3;
	v8 =	vshrl.u32 v4, $0x10;
	v3 =	vadd.s32 v6, v3  }
0x57: {  	v6 =	vand.u32 $0x1, v8;
	v8 =	vshrl.u32 v5, $0x10;
	v3 =	vadd.s32 $0x7FFF, v3  }
0x58: {  	v6 =	vadd.s32 v6, v4;
	v8 =	vand.u32 $0x1, v8;
	v4 =	vmul.f32 v4, v4  }
0x59: {  	v3 =	vand.u32 $0xFFFF0000, v3;
	v6 =	vadd.s32 $0x7FFF, v6;
	v8 =	vadd.s32 v8, v5  }
0x5a: {  	s8 =	simm.s32 $0x10;
	[tilespmem:s7+$0x8000] =	vst v3;
	v6 =	vand.u32 $0xFFFF0000, v6;
	v8 =	vadd.s32 $0x7FFF, v8  }
0x5b: {  	s2 =	simm.s32 $0x80;
	s6 =	simm.s32 $0x0;
	v5 =	vmul.f32 v5, v5;
	v4 =	vadd.f32 v4, v7;
	v3 =	vld [tilespmem:s8+$0x8000];
	[tilespmem:s7+$0x8100] =	vst v6;
	v6 =	vand.u32 $0xFFFF0000, v8  }
.LBB2_4:
0x5c: {  	p0 =	sne.s32 s2, $0x3C0;
	v7 =	vld [tilespmem:s8+$0x8100];
	[tilespmem:s7+$0x8200] =	vst v6  }
0x5d: {  	v6 =	vld [tilespmem:s8+$0x8200];
	v4 =	vadd.f32 v5, v4;
	_ =	sdelay $0x1  }
0x5e: {  	[tilespmem:s7+$0x8300] =	vst v4;
	s7 =	smov.u32 s8  }
0x5f: {  	v4 =	vmul.f32 v3, v3;
	v5 =	vshrl.u32 v3, $0x10  }
0x60: {  	v8 =	vmul.f32 v7, v7;
	v5 =	vand.u32 $0x1, v5;
	v9 =	vshrl.u32 v7, $0x10  }
.Ltmp1:
0x61: {  	v3 =	vadd.s32 v5, v3;
	v5 =	vand.u32 $0x1, v9;
	v9 =	vshrl.u32 v6, $0x10;
	(pc) =	sbr.rel @p0 .LBB2_4-.Ltmp1, $4  }
0x62: {  	v3 =	vadd.s32 $0x7FFF, v3;
	v5 =	vadd.s32 v5, v7;
	v7 =	vand.u32 $0x1, v9  }
0x63: {  	v3 =	vand.u32 $0xFFFF0000, v3;
	v5 =	vadd.s32 $0x7FFF, v5;
	v7 =	vadd.s32 v7, v6  }
0x64: {  	s8 =	sshra.s32 s2, $0x2;
	v4 =	vadd.f32 v8, v4;
	[tilespmem:s7+$0x8000] =	vst v3;
	v8 =	vand.u32 $0xFFFF0000, v5;
	v7 =	vadd.s32 $0x7FFF, v7  }
0x65: {  	s2 =	sadd.s32 $0x40, s2;
	v5 =	vmul.f32 v6, v6;
	v3 =	vld [tilespmem:s8+$0x8000];
	[tilespmem:s7+$0x8100] =	vst v8;
	v6 =	vand.u32 $0xFFFF0000, v7  }
0x66: {  	v7 =	vld [tilespmem:s8+$0x8100]  }
0x67: {  	[tilespmem:s7+$0x8200] =	vst v6  }
0x68: {  	v6 =	vld [tilespmem:s8+$0x8200];
	_ =	sdelay $0x1  }
0x69: {  	v4 =	vadd.f32 v5, v4;
	v59 =	vshrl.u32 v3, $0x10  }
0x6a: {  	v8 =	vmul.f32 v3, v3;
	v5 =	vand.u32 $0x1, v59;
	v9 =	vshrl.u32 v7, $0x10  }
0x6b: {  	v60 =	vmul.f32 v7, v7;
	v3 =	vadd.s32 v5, v3;
	v9 =	vand.u32 $0x1, v9  }
0x6c: {  	v61 =	vshrl.u32 v6, $0x10;
	v7 =	vadd.s32 v9, v7;
	v3 =	vadd.s32 $0x7FFF, v3  }
0x6d: {  	v9 =	vand.u32 $0x1, v61;
	v5 =	vadd.f32 v60, v8;
	v3 =	vand.u32 $0xFFFF0000, v3  }
0x6e: {  	[tilespmem:s7+$0x8300] =	vst v4;
	v7 =	vadd.s32 $0x7FFF, v7;
	v62 =	vadd.s32 v9, v6;
	v6 =	vmul.f32 v6, v6  }
0x6f: {  	[tilespmem:s8+$0x8000] =	vst v3;
	v3 =	vand.u32 $0xFFFF0000, v7;
	v4 =	vadd.s32 $0x7FFF, v62  }
0x70: {  	[tilespmem:s8+$0x8100] =	vst v3;
	v3 =	vand.u32 $0xFFFF0000, v4;
	v63 =	vadd.f32 v6, v5  }
0x71: {  	[tilespmem:s8+$0x8200] =	vst v3  }
0x72: {  	[tilespmem:s8+$0x8300] =	vst v63  }
.LBB2_6:
0x73: {  	s7 =	sshll.u32 s6, $0x2  }
0x74: {  	v3 =	vmov s7  }
0x75: {  	v6 =	vbroadcast v3, $0x0;
	_ =	sdelay $0x5  }
0x76: {  	v3 =	vld.idx.msk [tilespmem:v6+s17+$0x0], $0xffff  }
0x77: {  	v4 =	vld.idx.msk [tilespmem:v6+s18+$0x0], $0xffff  }
0x78: {  	s2 =	simm.s32 $0x0;
	s9 =	simm.s32 $0x4010;
	s10 =	simm.s32 $0x2010;
	v5 =	vld.idx.msk [tilespmem:v6+s19+$0x0], $0xffff  }
0x79: {  	s11 =	simm.s32 $0x10;
	s12 =	simm.s32 $0x6010;
	s8 =	simm.s32 $0x0;
	v7 =	vld.idx.msk [tilespmem:v6+s20+$0x0], $0xffff  }
.LBB2_7:
0x7a: {  	v8 =	vld [tilespmem:s11+$0xFFFFFFF0]  }
0x7b: {  	v9 =	vld [tilespmem:s10+$0xFFFFFFF0]  }
0x7c: {  	v10 =	vld [tilespmem:s11+$0x0]  }
0x7d: {  	v11 =	vld [tilespmem:s10+$0x0]  }
0x7e: {  	v12 =	vld [tilespmem:s9+$0xFFFFFFF0]  }
0x7f: {  	v13 =	vld [tilespmem:s9+$0x0];
	_ =	sdelay $0x1  }
0x80: {  	v8 =	vmul.f32 v8, v3;
	v9 =	vmul.f32 v9, v4  }
0x81: {  	v14 =	vld [tilespmem:s12+$0xFFFFFFF0];
	v10 =	vmul.f32 v10, v3;
	v11 =	vmul.f32 v11, v4  }
0x82: {  	v59 =	vld [tilespmem:s12+$0x0];
	v58 =	vmul.f32 v12, v5;
	v8 =	vadd.f32 v9, v8  }
0x83: {  	v60 =	vmul.f32 v13, v5;
	v10 =	vadd.f32 v11, v10  }
0x84: {  	v8 =	vadd.f32 v58, v8  }
0x85: {  	v61 =	vadd.f32 v60, v10  }
0x86: {  	v62 =	vadd.f32 v14, v7;
	v8 =	vadd.f32 v8, v8  }
0x87: {  	v63 =	vadd.f32 v59, v7;
	v9 =	vadd.f32 v61, v61  }
0x88: {  	v8 =	vsub.f32 v62, v8  }
0x89: {  	v9 =	vsub.f32 v63, v9  }
0x8a: {  	vm1 =	vlt.f32 v8, $1.000000000e+00  }
0x8b: {  	vm2 =	vlt.f32 v9, $1.000000000e+00;
	v8 =	vmpcnt.ones.xlane vm1  }
0x8c: {  	v9 =	vmpcnt.ones.xlane vm2  }
0x8d: {  	(v2sf) =	vpush v8, $0x0  }
0x8e: {  	(v2sf) =	vpush v9, $0x0;
	_ =	sdelay $0xd  }
0x8f: {  	s5 =	sadd.s32 s2, s3;
	s13 =	spop (v2sf)  }
0x90: {  	v8 =	vor.u32 s5, v0;
	s13 =	sadd.s32 s8, s13;
	s22 =	spop (v2sf)  }
0x91: {  	p0 =	sgt.u32 s2, $0x1FDF;
	[tilespmem:s8+$0x8400] =	vst.msk vm1, v8;
	s8 =	sadd.s32 s13, s22  }
0x92: {  	p1 =	slt.s32 @!p0 s8, $0x20  }
0x93: {  	p0 =	por p0, !p1  }
.Ltmp2:
0x94: {  	_ = 	snop;
	(pc) =	sbr.rel @!p0 .LBB2_7-.Ltmp2, $3  }
0x95: {  	_ =	sdelay $0x1  }
0x96: {  	s2 =	sadd.s32 $0x20, s2;
	s9 =	sadd.s32 $0x20, s9;
	v8 =	vor.u32 s5, v1  }
0x97: {  	s10 =	sadd.s32 $0x20, s10;
	s11 =	sadd.s32 $0x20, s11;
	s12 =	sadd.s32 $0x20, s12;
	[tilespmem:s13+$0x8400] =	vst.msk vm2, v8  }
0x98: {  	v3 =	vld [tilespmem:$0x8400];
	_ =	sdelay $0x4  }
0x99: {  	v4 =	vnsel vm0, $0x0, v3  }
0x9a: {  	(xrf0) =	vadd.scan.msk.s32 $0xffff, v4;
	_ =	sdelay $0x5  }
0x9b: {  	v4, _, _ =	vpop (xrf0)  }
0x9c: {  	(v2sf) =	vpush v4, $0xF;
	_ =	sdelay $0xb  }
0x9d: {  	s9 =	sor.u32 $0x1, s7  }
0x9e: {  	v5 =	vmov s9;
	v4 =	vld [tilespmem:$0x8410]  }
0x9f: {  	v5 =	vand.u32 $0xFFFFFFFD, v5  }
0xa0: {  	p3 =	sgt.s32 s8, $0x0;
	v7 =	vmov s8;
	v5 =	vbroadcast v5, $0x0;
	s2 =	spop (v2sf)  }
0xa1: {  	vm1 =	vgt.s32 v7, v0;
	s2 =	simm.s32 @!p3 $0x0  }
0xa2: {  	v3 =	vnsel vm1, s2, v3;
	vm1 =	vgt.s32 v7, v1  }
0xa3: {  	[tilespmem:$0x8400] =	vst v3;
	v3 =	vnsel vm1, s2, v4  }
0xa4: {  	s22 =	simm.s32 $0x8400;
	[tilespmem:$0x8410] =	vst v3  }
0xa5: {  	[tilespmem:s23], [sflag:$0x1] =	stream.indirect.gather [hbm4b:s4+s21], $0x80, s22, s21, $0xb8;
	[tilespmem:$0x10700] =	vst v63  }
0xa6: {  	v3 =	vld.idx.msk [tilespmem:v5+s17+$0x0], $0xffff  }
0xa7: {  	v4 =	vld.idx.msk [tilespmem:v5+s18+$0x0], $0xffff  }
0xa8: {  	s8 =	simm.s32 $0x4010;
	s11 =	simm.s32 $0x2010;
	s12 =	simm.s32 $0x10;
	v7 =	vld.idx.msk [tilespmem:v5+s19+$0x0], $0xffff  }
0xa9: {  	s13 =	simm.s32 $0x6010;
	s10 =	simm.s32 $0x0;
	s2 =	simm.s32 $0x0;
	v8 =	vld.idx.msk [tilespmem:v5+s20+$0x0], $0xffff  }
.LBB2_9:
0xaa: {  	v9 =	vld [tilespmem:s12+$0xFFFFFFF0]  }
0xab: {  	v10 =	vld [tilespmem:s11+$0xFFFFFFF0]  }
0xac: {  	v11 =	vld [tilespmem:s12+$0x0]  }
0xad: {  	v12 =	vld [tilespmem:s11+$0x0]  }
0xae: {  	v13 =	vld [tilespmem:s8+$0xFFFFFFF0]  }
0xaf: {  	v14 =	vld [tilespmem:s8+$0x0];
	_ =	sdelay $0x1  }
0xb0: {  	v9 =	vmul.f32 v9, v3;
	v10 =	vmul.f32 v10, v4  }
0xb1: {  	v15 =	vld [tilespmem:s13+$0xFFFFFFF0];
	v11 =	vmul.f32 v11, v3;
	v12 =	vmul.f32 v12, v4  }
0xb2: {  	v61 =	vld [tilespmem:s13+$0x0];
	v9 =	vadd.f32 v10, v9;
	v10 =	vmul.f32 v13, v7  }
0xb3: {  	v62 =	vmul.f32 v14, v7;
	v11 =	vadd.f32 v12, v11  }
0xb4: {  	v9 =	vadd.f32 v10, v9  }
0xb5: {  	v10 =	vadd.f32 v62, v11  }
0xb6: {  	v11 =	vadd.f32 v15, v8;
	v9 =	vadd.f32 v9, v9  }
0xb7: {  	v63 =	vadd.f32 v61, v8;
	v10 =	vadd.f32 v10, v10  }
0xb8: {  	v9 =	vsub.f32 v11, v9  }
0xb9: {  	v10 =	vsub.f32 v63, v10  }
0xba: {  	vm1 =	vlt.f32 v9, $1.000000000e+00  }
0xbb: {  	vm2 =	vlt.f32 v10, $1.000000000e+00;
	v9 =	vmpcnt.ones.xlane vm1  }
0xbc: {  	v10 =	vmpcnt.ones.xlane vm2  }
0xbd: {  	(v2sf) =	vpush v9, $0x0  }
0xbe: {  	(v2sf) =	vpush v10, $0x0;
	_ =	sdelay $0xd  }
0xbf: {  	s5 =	sadd.s32 s2, s3;
	s14 =	spop (v2sf)  }
0xc0: {  	v9 =	vor.u32 s5, v0;
	s14 =	sadd.s32 s10, s14;
	s22 =	spop (v2sf)  }
0xc1: {  	p0 =	sgt.u32 s2, $0x1FDF;
	[tilespmem:s10+$0x8480] =	vst.msk vm1, v9;
	s10 =	sadd.s32 s14, s22  }
0xc2: {  	p1 =	slt.s32 @!p0 s10, $0x20  }
0xc3: {  	p0 =	por p0, !p1  }
.Ltmp3:
0xc4: {  	_ = 	snop;
	(pc) =	sbr.rel @!p0 .LBB2_9-.Ltmp3, $3  }
0xc5: {  	_ =	sdelay $0x1  }
0xc6: {  	s2 =	sadd.s32 $0x20, s2;
	s8 =	sadd.s32 $0x20, s8;
	v9 =	vor.u32 s5, v1  }
0xc7: {  	s11 =	sadd.s32 $0x20, s11;
	s12 =	sadd.s32 $0x20, s12;
	s13 =	sadd.s32 $0x20, s13;
	[tilespmem:s14+$0x8480] =	vst.msk vm2, v9  }
0xc8: {  	v3 =	vld [tilespmem:$0x8480];
	_ =	sdelay $0x4  }
0xc9: {  	v4 =	vnsel vm0, $0x0, v3  }
0xca: {  	(xrf0) =	vadd.scan.msk.s32 $0xffff, v4;
	_ =	sdelay $0x5  }
0xcb: {  	v4, _, _ =	vpop (xrf0)  }
0xcc: {  	(v2sf) =	vpush v4, $0xF;
	_ =	sdelay $0xb  }
0xcd: {  	s8 =	sor.u32 $0x2, s7  }
0xce: {  	v7 =	vld [tilespmem:$0x8490];
	v4 =	vmov s8  }
0xcf: {  	v4 =	vand.u32 $0xFFFFFFFE, v4  }
0xd0: {  	p2 =	sgt.s32 s10, $0x0;
	v8 =	vmov s10;
	v4 =	vbroadcast v4, $0x0;
	s2 =	spop (v2sf)  }
0xd1: {  	vm1 =	vgt.s32 v8, v0;
	s2 =	simm.s32 @!p2 $0x0  }
0xd2: {  	v3 =	vnsel vm1, s2, v3;
	vm1 =	vgt.s32 v8, v1  }
0xd3: {  	[tilespmem:$0x8480] =	vst v3;
	v3 =	vnsel vm1, s2, v7  }
0xd4: {  	[tilespmem:$0x8490] =	vst v3  }
0xd5: {  	[tilespmem:s25], [sflag:$0x2] =	stream.indirect.gather [hbm4b:s4+s21], $0x80, s24, s21, $0xb8;
	[tilespmem:$0x10700] =	vst v63  }
0xd6: {  	v3 =	vld.idx.msk [tilespmem:v4+s17+$0x0], $0xffff  }
0xd7: {  	v7 =	vld.idx.msk [tilespmem:v4+s18+$0x0], $0xffff  }
0xd8: {  	s5 =	simm.s32 $0x0;
	s11 =	simm.s32 $0x4010;
	s12 =	simm.s32 $0x2010;
	v8 =	vld.idx.msk [tilespmem:v4+s19+$0x0], $0xffff  }
0xd9: {  	s13 =	simm.s32 $0x10;
	s10 =	simm.s32 $0x0;
	s2 =	simm.s32 $0x6010;
	v9 =	vld.idx.msk [tilespmem:v4+s20+$0x0], $0xffff  }
.LBB2_11:
0xda: {  	v10 =	vld [tilespmem:s13+$0xFFFFFFF0]  }
0xdb: {  	v11 =	vld [tilespmem:s12+$0xFFFFFFF0]  }
0xdc: {  	v12 =	vld [tilespmem:s13+$0x0]  }
0xdd: {  	v13 =	vld [tilespmem:s12+$0x0]  }
0xde: {  	v14 =	vld [tilespmem:s11+$0xFFFFFFF0]  }
0xdf: {  	v15 =	vld [tilespmem:s11+$0x0];
	_ =	sdelay $0x1  }
0xe0: {  	v10 =	vmul.f32 v10, v3;
	v11 =	vmul.f32 v11, v7  }
0xe1: {  	v16 =	vld [tilespmem:s2+$0xFFFFFFF0];
	v12 =	vmul.f32 v12, v3;
	v13 =	vmul.f32 v13, v7  }
0xe2: {  	v60 =	vld [tilespmem:s2+$0x0];
	v10 =	vadd.f32 v11, v10;
	v11 =	vmul.f32 v14, v8  }
0xe3: {  	v61 =	vmul.f32 v15, v8;
	v12 =	vadd.f32 v13, v12  }
0xe4: {  	v10 =	vadd.f32 v11, v10  }
0xe5: {  	v11 =	vadd.f32 v61, v12  }
0xe6: {  	v62 =	vadd.f32 v16, v9;
	v10 =	vadd.f32 v10, v10  }
0xe7: {  	v63 =	vadd.f32 v60, v9;
	v11 =	vadd.f32 v11, v11  }
0xe8: {  	v10 =	vsub.f32 v62, v10  }
0xe9: {  	v11 =	vsub.f32 v63, v11  }
0xea: {  	vm1 =	vlt.f32 v10, $1.000000000e+00  }
0xeb: {  	vm2 =	vlt.f32 v11, $1.000000000e+00;
	v10 =	vmpcnt.ones.xlane vm1  }
0xec: {  	v11 =	vmpcnt.ones.xlane vm2  }
0xed: {  	(v2sf) =	vpush v10, $0x0  }
0xee: {  	(v2sf) =	vpush v11, $0x0;
	_ =	sdelay $0xc  }
0xef: {  	s14 =	sadd.s32 s5, s3  }
0xf0: {  	v10 =	vor.u32 s14, v0;
	s22 =	spop (v2sf)  }
0xf1: {  	[tilespmem:s10+$0x8500] =	vst.msk vm1, v10;
	s22 =	sadd.s32 s10, s22;
	s10 =	spop (v2sf)  }
0xf2: {  	p0 =	sgt.u32 s5, $0x1FDF;
	s10 =	sadd.s32 s22, s10  }
0xf3: {  	p1 =	slt.s32 @!p0 s10, $0x20  }
0xf4: {  	p0 =	por p0, !p1  }
.Ltmp4:
0xf5: {  	_ = 	snop;
	(pc) =	sbr.rel @!p0 .LBB2_11-.Ltmp4, $3  }
0xf6: {  	_ =	sdelay $0x1  }
0xf7: {  	s5 =	sadd.s32 $0x20, s5;
	s11 =	sadd.s32 $0x20, s11;
	v10 =	vor.u32 s14, v1  }
0xf8: {  	s12 =	sadd.s32 $0x20, s12;
	s13 =	sadd.s32 $0x20, s13;
	s2 =	sadd.s32 $0x20, s2;
	[tilespmem:s22+$0x8500] =	vst.msk vm2, v10  }
0xf9: {  	v7 =	vld [tilespmem:$0x8500];
	_ =	sdelay $0x4  }
0xfa: {  	v3 =	vnsel vm0, $0x0, v7  }
0xfb: {  	(xrf0) =	vadd.scan.msk.s32 $0xffff, v3;
	_ =	sdelay $0x5  }
0xfc: {  	v3, _, _ =	vpop (xrf0)  }
0xfd: {  	(v2sf) =	vpush v3, $0xF;
	_ =	sdelay $0xc  }
0xfe: {  	v8 =	vld [tilespmem:$0x8510];
	_ =	sdelay $0x1  }
0xff: {  	p1 =	sgt.s32 s10, $0x0;
	v9 =	vmov s10;
	s7 =	sor.u32 $0x3, s7;
	s2 =	spop (v2sf)  }
0x100: {  	vm1 =	vgt.s32 v9, v0;
	v3 =	vmov s7;
	s2 =	simm.s32 @!p1 $0x0  }
0x101: {  	v7 =	vnsel vm1, s2, v7;
	vm1 =	vgt.s32 v9, v1  }
0x102: {  	[tilespmem:$0x8500] =	vst v7;
	v7 =	vnsel vm1, s2, v8  }
0x103: {  	[tilespmem:$0x8510] =	vst v7  }
0x104: {  	[tilespmem:s28], [sflag:$0x3] =	stream.indirect.gather [hbm4b:s4+s21], $0x80, s26, s21, $0xb8;
	[tilespmem:$0x10700] =	vst v63  }
0x105: {  	v7 =	vld.idx.msk [tilespmem:v3+s17+$0x0], $0xffff  }
0x106: {  	v8 =	vld.idx.msk [tilespmem:v3+s18+$0x0], $0xffff  }
0x107: {  	s5 =	simm.s32 $0x0;
	s11 =	simm.s32 $0x4010;
	s12 =	simm.s32 $0x2010;
	v9 =	vld.idx.msk [tilespmem:v3+s19+$0x0], $0xffff  }
0x108: {  	s13 =	simm.s32 $0x10;
	s10 =	simm.s32 $0x0;
	s2 =	simm.s32 $0x6010;
	v10 =	vld.idx.msk [tilespmem:v3+s20+$0x0], $0xffff  }
.LBB2_13:
0x109: {  	v11 =	vld [tilespmem:s13+$0xFFFFFFF0]  }
0x10a: {  	v12 =	vld [tilespmem:s12+$0xFFFFFFF0]  }
0x10b: {  	v13 =	vld [tilespmem:s13+$0x0]  }
0x10c: {  	v14 =	vld [tilespmem:s12+$0x0]  }
0x10d: {  	v15 =	vld [tilespmem:s11+$0xFFFFFFF0]  }
0x10e: {  	v16 =	vld [tilespmem:s11+$0x0];
	_ =	sdelay $0x1  }
0x10f: {  	v11 =	vmul.f32 v11, v7;
	v12 =	vmul.f32 v12, v8  }
0x110: {  	v17 =	vld [tilespmem:s2+$0xFFFFFFF0];
	v13 =	vmul.f32 v13, v7;
	v14 =	vmul.f32 v14, v8  }
0x111: {  	v59 =	vld [tilespmem:s2+$0x0];
	v58 =	vmul.f32 v15, v9;
	v11 =	vadd.f32 v12, v11  }
0x112: {  	v60 =	vmul.f32 v16, v9;
	v13 =	vadd.f32 v14, v13  }
0x113: {  	v11 =	vadd.f32 v58, v11  }
0x114: {  	v61 =	vadd.f32 v60, v13  }
0x115: {  	v62 =	vadd.f32 v17, v10;
	v11 =	vadd.f32 v11, v11  }
0x116: {  	v63 =	vadd.f32 v59, v10;
	v12 =	vadd.f32 v61, v61  }
0x117: {  	v11 =	vsub.f32 v62, v11  }
0x118: {  	v12 =	vsub.f32 v63, v12  }
0x119: {  	vm1 =	vlt.f32 v11, $1.000000000e+00  }
0x11a: {  	vm2 =	vlt.f32 v12, $1.000000000e+00;
	v11 =	vmpcnt.ones.xlane vm1  }
0x11b: {  	v12 =	vmpcnt.ones.xlane vm2  }
0x11c: {  	(v2sf) =	vpush v11, $0x0  }
0x11d: {  	(v2sf) =	vpush v12, $0x0;
	_ =	sdelay $0xc  }
0x11e: {  	s14 =	sadd.s32 s5, s3  }
0x11f: {  	v11 =	vor.u32 s14, v0;
	s22 =	spop (v2sf)  }
0x120: {  	[tilespmem:s10+$0x8580] =	vst.msk vm1, v11;
	s22 =	sadd.s32 s10, s22;
	s10 =	spop (v2sf)  }
0x121: {  	p0 =	sgt.u32 s5, $0x1FDF;
	s10 =	sadd.s32 s22, s10  }
0x122: {  	p4 =	slt.s32 @!p0 s10, $0x20  }
0x123: {  	p0 =	por p0, !p4  }
.Ltmp5:
0x124: {  	_ = 	snop;
	(pc) =	sbr.rel @!p0 .LBB2_13-.Ltmp5, $3  }
0x125: {  	_ =	sdelay $0x1  }
0x126: {  	s5 =	sadd.s32 $0x20, s5;
	s11 =	sadd.s32 $0x20, s11;
	v11 =	vor.u32 s14, v1  }
0x127: {  	s12 =	sadd.s32 $0x20, s12;
	s13 =	sadd.s32 $0x20, s13;
	s2 =	sadd.s32 $0x20, s2;
	[tilespmem:s22+$0x8580] =	vst.msk vm2, v11  }
0x128: {  	v7 =	vld [tilespmem:$0x8580];
	_ =	sdelay $0x4  }
0x129: {  	v8 =	vnsel vm0, $0x0, v7  }
0x12a: {  	(xrf0) =	vadd.scan.msk.s32 $0xffff, v8;
	_ =	sdelay $0x5  }
0x12b: {  	v8, _, _ =	vpop (xrf0)  }
0x12c: {  	(v2sf) =	vpush v8, $0xF;
	_ =	sdelay $0xc  }
0x12d: {  	v8 =	vld [tilespmem:$0x8590];
	_ =	sdelay $0x1  }
0x12e: {  	p0 =	sgt.s32 s10, $0x0;
	v9 =	vmov s10;
	s2 =	spop (v2sf)  }
0x12f: {  	vm1 =	vgt.s32 v9, v0;
	s2 =	simm.s32 @!p0 $0x0  }
0x130: {  	v7 =	vnsel vm1, s2, v7;
	vm1 =	vgt.s32 v9, v1  }
0x131: {  	[tilespmem:$0x8580] =	vst v7;
	v7 =	vnsel vm1, s2, v8  }
0x132: {  	[tilespmem:$0x8590] =	vst v7  }
0x133: {  	[tilespmem:s30], [sflag:$0x4] =	stream.indirect.gather [hbm4b:s4+s21], $0x80, s29, s21, $0xb8;
	[tilespmem:$0x10700] =	vst v63  }
0x134: {  	_ =	swait.ge [sflag:s31], $0x1000  }
0x135: {  	[sflag:s31] =	ssyncset.done $0x0  }
0x136: {  	s10 =	simm.s32 $0x0;
	[sflag:s31] =	ssyncadd.s32 $0xFFFFF000  }
0x137: {  	v9 =	vld [tilespmem:s10+$0x8780]  }
0x138: {  	v7 =	vld [tilespmem:s10+$0x8790]  }
0x139: {  	v8 =	vld [tilespmem:s10+$0x87A0]  }
0x13a: {  	v12 =	vld [tilespmem:s10+$0x8700]  }
0x13b: {  	v10 =	vld [tilespmem:s10+$0x8710]  }
0x13c: {  	v11 =	vld [tilespmem:s10+$0x8720]  }
0x13d: {  	v19 =	vld [tilespmem:s10+$0x8680]  }
0x13e: {  	v13 =	vld [tilespmem:s10+$0x8690]  }
0x13f: {  	v22 =	vld [tilespmem:s10+$0x8600]  }
0x140: {  	v16 =	vld [tilespmem:s10+$0x86A0]  }
0x141: {  	v14 =	vimm.f32 $-Inf;
	v20 =	vld [tilespmem:s10+$0x8610]  }
0x142: {  	s11 =	simm.s32 $0x800;
	v18 =	vimm.f32 $-Inf;
	v17 =	vimm.f32 $-Inf;
	v15 =	vimm.f32 $-Inf;
	v21 =	vld [tilespmem:s10+$0x8620]  }
.LBB2_15:
0x143: {  	p4 =	sne.s32 s11, $0x3800;
	v23 =	vld [tilespmem:s10+$0x8630]  }
0x144: {  	v14 =	vmax.f32 v14, v22;
	v22 =	vld [tilespmem:s10+$0x86B0]  }
0x145: {  	v14 =	vmax.f32 v14, v19;
	v19 =	vld [tilespmem:s10+$0x8730]  }
0x146: {  	v12 =	vmax.f32 v14, v12;
	v24 =	vld [tilespmem:s10+$0x87B0];
	s10 =	sshra.s32 s11, $0x2  }
0x147: {  	v14 =	vmax.f32 v12, v9;
	v9 =	vld [tilespmem:s10+$0x8780]  }
0x148: {  	v12 =	vmax.f32 v18, v20;
	v17 =	vmax.f32 v17, v21;
	v25 =	vld [tilespmem:s10+$0x8790];
	v15 =	vmax.f32 v15, v23  }
0x149: {  	v13 =	vmax.f32 v12, v13;
	v16 =	vmax.f32 v17, v16;
	v20 =	vld [tilespmem:s10+$0x87A0];
	v15 =	vmax.f32 v15, v22  }
0x14a: {  	v13 =	vmax.f32 v13, v10;
	v11 =	vmax.f32 v16, v11;
	v12 =	vld [tilespmem:s10+$0x8700];
	v15 =	vmax.f32 v15, v19  }
0x14b: {  	v18 =	vmax.f32 v13, v7;
	v17 =	vmax.f32 v11, v8;
	v10 =	vld [tilespmem:s10+$0x8710];
	v15 =	vmax.f32 v15, v24  }
0x14c: {  	v11 =	vld [tilespmem:s10+$0x8720]  }
0x14d: {  	v19 =	vld [tilespmem:s10+$0x8680];
	v7 =	vmov v25  }
.Ltmp6:
0x14e: {  	v13 =	vld [tilespmem:s10+$0x8690];
	v8 =	vmov v20;
	(pc) =	sbr.rel @p4 .LBB2_15-.Ltmp6, $4  }
0x14f: {  	v22 =	vld [tilespmem:s10+$0x8600]  }
0x150: {  	v16 =	vld [tilespmem:s10+$0x86A0]  }
0x151: {  	v20 =	vld [tilespmem:s10+$0x8610]  }
0x152: {  	s11 =	sadd.s32 $0x800, s11;
	v21 =	vld [tilespmem:s10+$0x8620]  }
0x153: {  	v23 =	vld [tilespmem:s10+$0x8630]  }
0x154: {  	v14 =	vmax.f32 v14, v22;
	v22 =	vld [tilespmem:s10+$0x86B0]  }
0x155: {  	v14 =	vmax.f32 v14, v19;
	v19 =	vld [tilespmem:s10+$0x8730]  }
0x156: {  	v12 =	vmax.f32 v14, v12;
	v14 =	vld [tilespmem:s10+$0x87B0];
	v18 =	vmax.f32 v18, v20  }
0x157: {  	s2 =	sshll.u32 s6, $0x8;
	v9 =	vmax.f32 v12, v9;
	v12 =	vmax.f32 v17, v21;
	v13 =	vmax.f32 v18, v13  }
0x158: {  	s2 =	sand.u32 $0x3FFFFF00, s2;
	v15 =	vmax.f32 v15, v23;
	v12 =	vmax.f32 v12, v16;
	v10 =	vmax.f32 v13, v10  }
0x159: {  	[tilespmem:s2+$0xC600] =	vst v9;
	v13 =	vmax.f32 v15, v22;
	v11 =	vmax.f32 v12, v11;
	v7 =	vmax.f32 v10, v7  }
0x15a: {  	v9 =	vmax.f32 v13, v19;
	v8 =	vmax.f32 v11, v8;
	[tilespmem:s2+$0xC610] =	vst v7  }
0x15b: {  	v7 =	vmax.f32 v9, v14;
	[tilespmem:s2+$0xC620] =	vst v8  }
0x15c: {  	[tilespmem:s2+$0xC630] =	vst v7;
	v7 =	vpsel !p3, $0x0, v2  }
0x15d: {  	[tilespmem:v6+s0+$0x0] =	vst.idx.msk $0x1, v7  }
0x15e: {  	_ =	swait.ge [sflag:s1], $0x1000  }
0x15f: {  	[sflag:s1] =	ssyncset.done $0x0  }
0x160: {  	s10 =	simm.s32 $0x0;
	[sflag:s1] =	ssyncadd.s32 $0xFFFFF000  }
0x161: {  	v8 =	vld [tilespmem:s10+$0x9780]  }
0x162: {  	v7 =	vld [tilespmem:s10+$0x9790]  }
0x163: {  	v6 =	vld [tilespmem:s10+$0x97A0]  }
0x164: {  	v11 =	vld [tilespmem:s10+$0x9700]  }
0x165: {  	v9 =	vld [tilespmem:s10+$0x9710]  }
0x166: {  	v10 =	vld [tilespmem:s10+$0x9720]  }
0x167: {  	v18 =	vld [tilespmem:s10+$0x9680]  }
0x168: {  	v12 =	vld [tilespmem:s10+$0x9690]  }
0x169: {  	v21 =	vld [tilespmem:s10+$0x9600]  }
0x16a: {  	v15 =	vld [tilespmem:s10+$0x96A0]  }
0x16b: {  	v17 =	vimm.f32 $-Inf;
	v19 =	vld [tilespmem:s10+$0x9610]  }
0x16c: {  	s11 =	simm.s32 $0x800;
	v16 =	vimm.f32 $-Inf;
	v13 =	vimm.f32 $-Inf;
	v14 =	vimm.f32 $-Inf;
	v20 =	vld [tilespmem:s10+$0x9620]  }
.LBB2_17:
0x16d: {  	p3 =	sne.s32 s11, $0x3800;
	v22 =	vld [tilespmem:s10+$0x9630]  }
0x16e: {  	v13 =	vmax.f32 v13, v21;
	v21 =	vld [tilespmem:s10+$0x96B0]  }
0x16f: {  	v13 =	vmax.f32 v13, v18;
	v18 =	vld [tilespmem:s10+$0x9730]  }
0x170: {  	v11 =	vmax.f32 v13, v11;
	v23 =	vld [tilespmem:s10+$0x97B0];
	s10 =	sshra.s32 s11, $0x2  }
0x171: {  	v13 =	vmax.f32 v11, v8;
	v8 =	vld [tilespmem:s10+$0x9780]  }
0x172: {  	v11 =	vmax.f32 v17, v19;
	v16 =	vmax.f32 v16, v20;
	v24 =	vld [tilespmem:s10+$0x9790];
	v14 =	vmax.f32 v14, v22  }
0x173: {  	v12 =	vmax.f32 v11, v12;
	v15 =	vmax.f32 v16, v15;
	v19 =	vld [tilespmem:s10+$0x97A0];
	v14 =	vmax.f32 v14, v21  }
0x174: {  	v12 =	vmax.f32 v12, v9;
	v10 =	vmax.f32 v15, v10;
	v11 =	vld [tilespmem:s10+$0x9700];
	v14 =	vmax.f32 v14, v18  }
0x175: {  	v17 =	vmax.f32 v12, v7;
	v16 =	vmax.f32 v10, v6;
	v9 =	vld [tilespmem:s10+$0x9710];
	v14 =	vmax.f32 v14, v23  }
0x176: {  	v10 =	vld [tilespmem:s10+$0x9720]  }
0x177: {  	v18 =	vld [tilespmem:s10+$0x9680];
	v7 =	vmov v24  }
.Ltmp7:
0x178: {  	v12 =	vld [tilespmem:s10+$0x9690];
	v6 =	vmov v19;
	(pc) =	sbr.rel @p3 .LBB2_17-.Ltmp7, $4  }
0x179: {  	v21 =	vld [tilespmem:s10+$0x9600]  }
0x17a: {  	v15 =	vld [tilespmem:s10+$0x96A0]  }
0x17b: {  	v19 =	vld [tilespmem:s10+$0x9610]  }
0x17c: {  	s11 =	sadd.s32 $0x800, s11;
	v20 =	vld [tilespmem:s10+$0x9620]  }
0x17d: {  	v22 =	vld [tilespmem:s10+$0x9630]  }
0x17e: {  	v13 =	vmax.f32 v13, v21;
	v21 =	vld [tilespmem:s10+$0x96B0]  }
0x17f: {  	v13 =	vmax.f32 v13, v18;
	v18 =	vld [tilespmem:s10+$0x9730]  }
0x180: {  	v11 =	vmax.f32 v13, v11;
	v13 =	vld [tilespmem:s10+$0x97B0];
	v17 =	vmax.f32 v17, v19  }
0x181: {  	v8 =	vmax.f32 v11, v8;
	v11 =	vmax.f32 v16, v20;
	v12 =	vmax.f32 v17, v12  }
0x182: {  	s2 =	sshll.u32 s9, $0x6;
	v14 =	vmax.f32 v14, v22;
	v11 =	vmax.f32 v11, v15;
	v9 =	vmax.f32 v12, v9  }
0x183: {  	s5 =	sor.u32 $0x50, s2;
	[tilespmem:s2+$0xC600] =	vst v8;
	v12 =	vmax.f32 v14, v21;
	v10 =	vmax.f32 v11, v10;
	v7 =	vmax.f32 v9, v7  }
0x184: {  	s22 =	sor.u32 $0x60, s2;
	v8 =	vmax.f32 v12, v18;
	v6 =	vmax.f32 v10, v6;
	[tilespmem:s5+$0xC600] =	vst v7  }
0x185: {  	s2 =	sor.u32 $0x70, s2;
	v7 =	vmax.f32 v8, v13;
	[tilespmem:s22+$0xC600] =	vst v6  }
0x186: {  	v6 =	vpsel !p2, $0x0, v2;
	[tilespmem:s2+$0xC600] =	vst v7  }
0x187: {  	[tilespmem:v5+s0+$0x0] =	vst.idx.msk $0x1, v6  }
0x188: {  	_ =	swait.ge [sflag:s15], $0x1000  }
0x189: {  	[sflag:s15] =	ssyncset.done $0x0  }
0x18a: {  	s9 =	simm.s32 $0x0;
	[sflag:s15] =	ssyncadd.s32 $0xFFFFF000  }
0x18b: {  	v7 =	vld [tilespmem:s9+$0xA780]  }
0x18c: {  	v5 =	vld [tilespmem:s9+$0xA790]  }
0x18d: {  	v6 =	vld [tilespmem:s9+$0xA7A0]  }
0x18e: {  	v10 =	vld [tilespmem:s9+$0xA700]  }
0x18f: {  	v8 =	vld [tilespmem:s9+$0xA710]  }
0x190: {  	v9 =	vld [tilespmem:s9+$0xA720]  }
0x191: {  	v17 =	vld [tilespmem:s9+$0xA680]  }
0x192: {  	v11 =	vld [tilespmem:s9+$0xA690]  }
0x193: {  	v20 =	vld [tilespmem:s9+$0xA600]  }
0x194: {  	v14 =	vld [tilespmem:s9+$0xA6A0]  }
0x195: {  	v16 =	vimm.f32 $-Inf;
	v18 =	vld [tilespmem:s9+$0xA610]  }
0x196: {  	s10 =	simm.s32 $0x800;
	v15 =	vimm.f32 $-Inf;
	v12 =	vimm.f32 $-Inf;
	v13 =	vimm.f32 $-Inf;
	v19 =	vld [tilespmem:s9+$0xA620]  }
.LBB2_19:
0x197: {  	p2 =	sne.s32 s10, $0x3800;
	v21 =	vld [tilespmem:s9+$0xA630]  }
0x198: {  	v12 =	vmax.f32 v12, v20;
	v20 =	vld [tilespmem:s9+$0xA6B0]  }
0x199: {  	v12 =	vmax.f32 v12, v17;
	v17 =	vld [tilespmem:s9+$0xA730]  }
0x19a: {  	v10 =	vmax.f32 v12, v10;
	v22 =	vld [tilespmem:s9+$0xA7B0];
	s9 =	sshra.s32 s10, $0x2  }
0x19b: {  	v12 =	vmax.f32 v10, v7;
	v7 =	vld [tilespmem:s9+$0xA780]  }
0x19c: {  	v10 =	vmax.f32 v16, v18;
	v15 =	vmax.f32 v15, v19;
	v23 =	vld [tilespmem:s9+$0xA790];
	v13 =	vmax.f32 v13, v21  }
0x19d: {  	v11 =	vmax.f32 v10, v11;
	v14 =	vmax.f32 v15, v14;
	v18 =	vld [tilespmem:s9+$0xA7A0];
	v13 =	vmax.f32 v13, v20  }
0x19e: {  	v11 =	vmax.f32 v11, v8;
	v9 =	vmax.f32 v14, v9;
	v10 =	vld [tilespmem:s9+$0xA700];
	v13 =	vmax.f32 v13, v17  }
0x19f: {  	v16 =	vmax.f32 v11, v5;
	v15 =	vmax.f32 v9, v6;
	v8 =	vld [tilespmem:s9+$0xA710];
	v13 =	vmax.f32 v13, v22  }
0x1a0: {  	v9 =	vld [tilespmem:s9+$0xA720]  }
0x1a1: {  	v17 =	vld [tilespmem:s9+$0xA680];
	v5 =	vmov v23  }
.Ltmp8:
0x1a2: {  	v11 =	vld [tilespmem:s9+$0xA690];
	v6 =	vmov v18;
	(pc) =	sbr.rel @p2 .LBB2_19-.Ltmp8, $4  }
0x1a3: {  	v20 =	vld [tilespmem:s9+$0xA600]  }
0x1a4: {  	v14 =	vld [tilespmem:s9+$0xA6A0]  }
0x1a5: {  	v18 =	vld [tilespmem:s9+$0xA610]  }
0x1a6: {  	s10 =	sadd.s32 $0x800, s10;
	v19 =	vld [tilespmem:s9+$0xA620]  }
0x1a7: {  	v21 =	vld [tilespmem:s9+$0xA630]  }
0x1a8: {  	v12 =	vmax.f32 v12, v20;
	v20 =	vld [tilespmem:s9+$0xA6B0]  }
0x1a9: {  	v12 =	vmax.f32 v12, v17;
	v17 =	vld [tilespmem:s9+$0xA730]  }
0x1aa: {  	v10 =	vmax.f32 v12, v10;
	v12 =	vld [tilespmem:s9+$0xA7B0];
	v16 =	vmax.f32 v16, v18  }
0x1ab: {  	s2 =	sshll.u32 s8, $0x6;
	v7 =	vmax.f32 v10, v7;
	v10 =	vmax.f32 v15, v19;
	v11 =	vmax.f32 v16, v11  }
0x1ac: {  	s2 =	sand.u32 $0x3FFFFFC0, s2;
	v13 =	vmax.f32 v13, v21;
	v10 =	vmax.f32 v10, v14;
	v8 =	vmax.f32 v11, v8  }
0x1ad: {  	[tilespmem:s2+$0xC600] =	vst v7;
	v11 =	vmax.f32 v13, v20;
	v9 =	vmax.f32 v10, v9;
	v5 =	vmax.f32 v8, v5  }
0x1ae: {  	v7 =	vmax.f32 v11, v17;
	v6 =	vmax.f32 v9, v6;
	[tilespmem:s2+$0xC610] =	vst v5  }
0x1af: {  	v5 =	vmax.f32 v7, v12;
	[tilespmem:s2+$0xC620] =	vst v6  }
0x1b0: {  	[tilespmem:s2+$0xC630] =	vst v5;
	v5 =	vpsel !p1, $0x0, v2  }
0x1b1: {  	[tilespmem:v4+s0+$0x0] =	vst.idx.msk $0x1, v5  }
0x1b2: {  	_ =	swait.ge [sflag:s16], $0x1000  }
0x1b3: {  	[sflag:s16] =	ssyncset.done $0x0  }
0x1b4: {  	s8 =	simm.s32 $0x0;
	[sflag:s16] =	ssyncadd.s32 $0xFFFFF000  }
0x1b5: {  	v6 =	vld [tilespmem:s8+$0xB780]  }
0x1b6: {  	v5 =	vld [tilespmem:s8+$0xB790]  }
0x1b7: {  	v4 =	vld [tilespmem:s8+$0xB7A0]  }
0x1b8: {  	v9 =	vld [tilespmem:s8+$0xB700]  }
0x1b9: {  	v7 =	vld [tilespmem:s8+$0xB710]  }
0x1ba: {  	v8 =	vld [tilespmem:s8+$0xB720]  }
0x1bb: {  	v16 =	vld [tilespmem:s8+$0xB680]  }
0x1bc: {  	v10 =	vld [tilespmem:s8+$0xB690]  }
0x1bd: {  	v19 =	vld [tilespmem:s8+$0xB600]  }
0x1be: {  	v13 =	vld [tilespmem:s8+$0xB6A0]  }
0x1bf: {  	v15 =	vimm.f32 $-Inf;
	v17 =	vld [tilespmem:s8+$0xB610]  }
0x1c0: {  	s9 =	simm.s32 $0x800;
	v14 =	vimm.f32 $-Inf;
	v11 =	vimm.f32 $-Inf;
	v12 =	vimm.f32 $-Inf;
	v18 =	vld [tilespmem:s8+$0xB620]  }
.LBB2_21:
0x1c1: {  	p1 =	sne.s32 s9, $0x3800;
	v20 =	vld [tilespmem:s8+$0xB630]  }
0x1c2: {  	v11 =	vmax.f32 v11, v19;
	v19 =	vld [tilespmem:s8+$0xB6B0]  }
0x1c3: {  	v11 =	vmax.f32 v11, v16;
	v16 =	vld [tilespmem:s8+$0xB730]  }
0x1c4: {  	v9 =	vmax.f32 v11, v9;
	v21 =	vld [tilespmem:s8+$0xB7B0];
	s8 =	sshra.s32 s9, $0x2  }
0x1c5: {  	v11 =	vmax.f32 v9, v6;
	v6 =	vld [tilespmem:s8+$0xB780]  }
0x1c6: {  	v9 =	vmax.f32 v15, v17;
	v14 =	vmax.f32 v14, v18;
	v22 =	vld [tilespmem:s8+$0xB790];
	v12 =	vmax.f32 v12, v20  }
0x1c7: {  	v10 =	vmax.f32 v9, v10;
	v13 =	vmax.f32 v14, v13;
	v17 =	vld [tilespmem:s8+$0xB7A0];
	v12 =	vmax.f32 v12, v19  }
0x1c8: {  	v10 =	vmax.f32 v10, v7;
	v8 =	vmax.f32 v13, v8;
	v9 =	vld [tilespmem:s8+$0xB700];
	v12 =	vmax.f32 v12, v16  }
0x1c9: {  	v15 =	vmax.f32 v10, v5;
	v14 =	vmax.f32 v8, v4;
	v7 =	vld [tilespmem:s8+$0xB710];
	v12 =	vmax.f32 v12, v21  }
0x1ca: {  	v8 =	vld [tilespmem:s8+$0xB720]  }
0x1cb: {  	v16 =	vld [tilespmem:s8+$0xB680];
	v5 =	vmov v22  }
.Ltmp9:
0x1cc: {  	v10 =	vld [tilespmem:s8+$0xB690];
	v4 =	vmov v17;
	(pc) =	sbr.rel @p1 .LBB2_21-.Ltmp9, $4  }
0x1cd: {  	v19 =	vld [tilespmem:s8+$0xB600]  }
0x1ce: {  	v13 =	vld [tilespmem:s8+$0xB6A0]  }
0x1cf: {  	v17 =	vld [tilespmem:s8+$0xB610]  }
0x1d0: {  	s9 =	sadd.s32 $0x800, s9;
	v18 =	vld [tilespmem:s8+$0xB620]  }
0x1d1: {  	v20 =	vld [tilespmem:s8+$0xB630]  }
0x1d2: {  	v56 =	vld [tilespmem:s8+$0xB6B0];
	v11 =	vmax.f32 v11, v19  }
0x1d3: {  	v57 =	vld [tilespmem:s8+$0xB730];
	v11 =	vmax.f32 v11, v16  }
0x1d4: {  	v58 =	vld [tilespmem:s8+$0xB7B0];
	v63 =	vpsel !p0, $0x0, v2;
	v9 =	vmax.f32 v11, v9;
	v15 =	vmax.f32 v15, v17  }
0x1d5: {  	s6 =	sadd.s32 $0x1, s6;
	v6 =	vmax.f32 v9, v6;
	v59 =	vmax.f32 v14, v18;
	v10 =	vmax.f32 v15, v10  }
0x1d6: {  	s2 =	sshll.u32 s7, $0x6;
	p0 =	sne.s32 s6, $0x40;
	v12 =	vmax.f32 v12, v20;
	v9 =	vmax.f32 v59, v13;
	v7 =	vmax.f32 v10, v7  }
.Ltmp10:
0x1d7: {  	s5 =	sor.u32 $0x50, s2;
	[tilespmem:s2+$0xC600] =	vst v6;
	v60 =	vmax.f32 v12, v56;
	v8 =	vmax.f32 v9, v8;
	v5 =	vmax.f32 v7, v5;
	(pc) =	sbr.rel @p0 .LBB2_6-.Ltmp10, $4  }
0x1d8: {  	s22 =	sor.u32 $0x60, s2;
	v61 =	vmax.f32 v60, v57;
	v4 =	vmax.f32 v8, v4;
	[tilespmem:s5+$0xC600] =	vst v5  }
0x1d9: {  	s2 =	sor.u32 $0x70, s2;
	v62 =	vmax.f32 v61, v58;
	[tilespmem:s22+$0xC600] =	vst v4  }
0x1da: {  	[tilespmem:s2+$0xC600] =	vst v62  }
0x1db: {  	[tilespmem:v3+s0+$0x0] =	vst.idx.msk $0x1, v63  }
0x1dc: {  	s9 =	simm.s32 $0x0;
	s2 =	rddreg [dreg:$0x9];
	s5 =	simm.s32 $0xC600  }
0x1dd: {  	[hbm4b:s2+s9] =	stream.linear.scatter [tilespmem:s5], [sflag:$0x5], $0x4000, $0x38;
	[tilespmem:$0x10700] =	vst v63  }
0x1de: {  	s5 =	simm.s32 $0x5  }
0x1df: {  	_ =	swait.ge [sflag:s5], $0x4000  }
0x1e0: {  	[sflag:s5] =	ssyncset.done $0x0  }
0x1e1: {  	s14 =	rddreg [dreg:$0xa];
	[sflag:s5] =	ssyncadd.s32 $0xFFFFC000  }
0x1e2: {  	[hbm4b:s14+s9] =	stream.linear.scatter [tilespmem:s0], [sflag:$0x5], $0x100, $0x38;
	[tilespmem:$0x10700] =	vst v63  }
0x1e3: {  	_ =	swait.ge [sflag:s5], $0x100  }
0x1e4: {  	s6 =	rddreg [dreg:$0xc]  }
0x1e5: {  	s22 =	rddreg [dreg:$0xb];
	s6 =	sadd.s32 $0x1, s6  }
0x1e6: {  	p0 =	sne.s32 s6, s22  }
.Ltmp11:
0x1e7: {  	_ = 	snop;
	(pc) =	sbr.rel @p0 .LBB2_1-.Ltmp11, $3  }
0x1e8: {  	_ =	sdelay $0x1  }
0x1e9: {  	[sflag:s5] =	ssyncset.done $0x0  }
0x1ea: {  	[sflag:s5] =	ssyncadd.s32 $0xFFFFFF00  }
0x1eb: {  	_ =	sfence.sel $0x180000  }
0x1ec: {  	[bflag:$0x0] =	sbarrier.arrive $0xFFFF  }
0x1ed: {  	_ =	strace $0x90000047  }
0x1ee: {  	s0 =	stileid.u32;
	[bflag:$0x2] =	sbarrier.arrive $0xFFFF  }
0x1ef: {  	p0 =	sne.s32 s0, $0x0;
	s0 =	rddreg [dreg:$0x2]  }
0x1f0: {  	s0 =	sadd.s32 @!p0 $0x100000, s0  }
0x1f1: {  	[sflag:s0] =	ssyncadd.tile.s32 @!p0 $0x1;
	_ =	shalt  }
.Lfunc_end2:
_tile_overlayer_lowered:
.L_overlay_start_2:
0x1f2: {  	(tag) =	ssettag $0x2  }
0x1f3: {  	s0 =	rddreg [dreg:$0x0];
	s2 =	stileid.u32  }
0x1f4: {  	s1 =	rddreg [dreg:$0x1];
	p0 =	sne.s32 s2, $0x0  }
0x1f5: {  	s3 =	rddreg [dreg:$0x2];
	[bflag:$0x3] =	sbarrier.arrive $0xFFFF;
	s2 =	simm.s32 @!p0 $0x1C05  }
0x1f6: {  	[timem:s3], [sflag:s2] =	dma.local @!p0 [hbm:s0], s1  }
0x1f7: {  	s0 =	simm.s32 @!p0 $0x5  }
0x1f8: {  	_ =	swait.ge @!p0 [sflag:s0], s1  }
0x1f9: {  	s1 =	ssub.s32 @!p0 $0x0, s1;
	[sflag:s0] =	ssyncset.done @!p0 $0x0  }
0x1fa: {  	[sflag:s0] =	ssyncadd.s32 @!p0 s1  }
0x1fb: {  	[bflag:$0x3] =	sbarrier.arrive $0xFFFF  }
0x1fc: {  	_ =	shalt  }

</sc_bundles>
